<compile_context>
chip_gen: v7x
topology: tpu7x:2x2x1
jax: 0.10.2.dev20260603
libtpu: 0.0.44.dev20260713+nightly
codegen_flags: <defaults>
</compile_context>

<pallas_src>
import functools

import jax
import jax.numpy as jnp
from jax import lax
from jax.experimental import pallas as pl
from jax.experimental.pallas import tpu as pltpu
from jax.experimental.pallas import tpu_sc as plsc

N = 100000
H = 64
G = 1024
BN_EPS = 1e-5

NC = 2
NS = 16
NW = NC * NS
EB = 1000
EW = 6400000 // NW
NBUF = 4
ITERS = EW // (EB * NBUF)
XROWS = 104000
RPT = XROWS // NS
DW = 8

BLK = 4000
NB = N // BLK

_HI = lax.Precision.HIGHEST


def _seg_mesh_kernel(xp, edges, zeros, out,
                     src_v, dst_v, rows, acc, semi, semg, sems):
    cid = lax.axis_index("c")
    sid = lax.axis_index("s")
    wid = sid * NC + cid

    pltpu.sync_copy(zeros.at[pl.ds(sid * RPT, RPT)], acc.at[pl.ds(sid * RPT, RPT)])
    plsc.subcore_barrier()

    def drain_scatters():
        for b in range(NBUF):
            pltpu.make_async_copy(xp.at[pl.ds(0, EB)], rows[b], sems).wait()

    def body(k, carry):
        base = wid * EW + k * (NBUF * EB)
        idx_d = []
        for b in range(NBUF):
            idx_d.append(pltpu.async_copy(
                edges.at[0, pl.ds(base + b * EB, EB)], src_v[b], semi))
            idx_d.append(pltpu.async_copy(
                edges.at[1, pl.ds(base + b * EB, EB)], dst_v[b], semi))
        pl.when(k > 0)(drain_scatters)
        for d in idx_d:
            d.wait()
        gat_d = [pltpu.async_copy(xp.at[src_v[b]], rows[b], semg)
                 for b in range(NBUF)]
        for b in range(NBUF):
            gat_d[b].wait()
            pltpu.async_copy(rows[b], acc.at[dst_v[b]], sems, add=True)
        return carry

    lax.fori_loop(0, ITERS, body, jnp.int32(0))
    drain_scatters()

    plsc.subcore_barrier()
    pltpu.sync_copy(
        acc.at[pl.ds(sid * RPT, RPT)],
        out.at[pl.ds(cid * XROWS + sid * RPT, RPT)],
    )


@functools.cache
def _seg_call():
    return functools.partial(
        pl.kernel,
        mesh=plsc.VectorSubcoreMesh(core_axis_name="c", subcore_axis_name="s"),
        compiler_params=pltpu.CompilerParams(use_tc_tiling_on_sc=False),
        out_type=jax.ShapeDtypeStruct((NC * XROWS, DW), jnp.float32),
        scratch_types=[
            [pltpu.VMEM((EB,), jnp.int32) for _ in range(NBUF)],
            [pltpu.VMEM((EB,), jnp.int32) for _ in range(NBUF)],
            [pltpu.VMEM((EB, DW), jnp.float32) for _ in range(NBUF)],
            pltpu.VMEM_SHARED((XROWS, DW), jnp.float32),
            pltpu.SemaphoreType.DMA,
            pltpu.SemaphoreType.DMA,
            pltpu.SemaphoreType.DMA,
        ],
    )(_seg_mesh_kernel)


def _segment_partials(xp, edges, zeros):
    return _seg_call()(xp, edges, zeros)


def _t1_body(scale_ref, x_ref, p0_ref, p1_ref, w1_ref, b1_ref, h_ref, st_ref):
    i = pl.program_id(0)
    h = x_ref[...] * scale_ref[0, 0] + p0_ref[:, :4] + p1_ref[:, :4]
    h_ref[...] = h
    t1 = b1_ref[...]
    for a in range(4):
        t1 = t1 + h[:, a : a + 1] * w1_ref[a : a + 1, :]

    @pl.when(i == 0)
    def _():
        st_ref[...] = jnp.zeros_like(st_ref)

    st_ref[0:1, :] += jnp.sum(t1, axis=0, keepdims=True)
    st_ref[1:2, :] += jnp.sum(t1 * t1, axis=0, keepdims=True)


def _bn_coeffs(st_ref, g, be):
    mu = st_ref[0:1, :] * (1.0 / N)
    var = st_ref[1:2, :] * (1.0 / N) - mu * mu
    s = g * lax.rsqrt(var + BN_EPS)
    c = be - mu * s
    return s, c


def _mlp_t1(h, w1_ref, b1_ref):
    t1 = b1_ref[...]
    for a in range(4):
        t1 = t1 + h[:, a : a + 1] * w1_ref[a : a + 1, :]
    return t1


def _t2_body(h_ref, st1_ref, w1_ref, b1_ref, g1_ref, be1_ref, w2_ref, b2_ref,
             st2_ref):
    i = pl.program_id(0)
    s1, c1 = _bn_coeffs(st1_ref, g1_ref[...], be1_ref[...])
    h2 = jnp.maximum(_mlp_t1(h_ref[...], w1_ref, b1_ref) * s1 + c1, 0.0)
    t2 = lax.dot_general(h2, w2_ref[...], (((1,), (0,)), ((), ())),
                         precision=_HI, preferred_element_type=jnp.float32)
    t2 = t2 + b2_ref[...]

    @pl.when(i == 0)
    def _():
        st2_ref[...] = jnp.zeros_like(st2_ref)

    st2_ref[0:1, :] += jnp.sum(t2, axis=0, keepdims=True)
    st2_ref[1:2, :] += jnp.sum(t2 * t2, axis=0, keepdims=True)


def _t3_body(h_ref, b_ref, st1_ref, st2_ref, w1_ref, b1_ref, g1_ref, be1_ref,
             w2_ref, b2_ref, g2_ref, be2_ref, wl_ref, bl_ref, out_ref,
             pool_ref):
    i = pl.program_id(0)
    s1, c1 = _bn_coeffs(st1_ref, g1_ref[...], be1_ref[...])
    s2, c2 = _bn_coeffs(st2_ref, g2_ref[...], be2_ref[...])
    h2 = jnp.maximum(_mlp_t1(h_ref[...], w1_ref, b1_ref) * s1 + c1, 0.0)
    t2 = lax.dot_general(h2, w2_ref[...], (((1,), (0,)), ((), ())),
                         precision=_HI, preferred_element_type=jnp.float32)
    h3 = jnp.maximum((t2 + b2_ref[...]) * s2 + c2, 0.0)

    b_row = b_ref[0]
    iota = lax.broadcasted_iota(jnp.int32, (G, BLK), 0)
    pt = (iota == b_row).astype(jnp.bfloat16)
    aug = jnp.concatenate(
        [h3.astype(jnp.bfloat16), jnp.ones((BLK, 1), jnp.bfloat16)], axis=1)

    @pl.when(i == 0)
    def _():
        pool_ref[...] = jnp.zeros_like(pool_ref)

    pool_ref[...] += lax.dot_general(pt, aug, (((1,), (0,)), ((), ())),
                                     preferred_element_type=jnp.float32)

    @pl.when(i == NB - 1)
    def _():
        cnt = pool_ref[:, H : H + 1]
        mean = pool_ref[:, :H] / jnp.maximum(cnt, 1.0)
        logits = lax.dot_general(mean, wl_ref[...], (((1,), (0,)), ((), ())),
                                 precision=_HI,
                                 preferred_element_type=jnp.float32)
        logits = logits + bl_ref[...]
        m = jnp.max(logits, axis=1, keepdims=True)
        lse = m + jnp.log(jnp.sum(jnp.exp(logits - m), axis=1, keepdims=True))
        out_ref[...] = logits - lse


def _full_spec(shape):
    return pl.BlockSpec(shape, lambda i: tuple(0 for _ in shape))


def kernel(x, eps, W1, b1, g1, be1, W2, b2, g2, be2, Wl, bl, edge_index, batch,
           paper_count):
    f32 = jnp.float32
    xp = jnp.pad(x, ((0, XROWS - N), (0, DW - 4)))
    zeros = jnp.zeros((XROWS, DW), f32)

    partials = _segment_partials(xp, edge_index, zeros)

    scale = jnp.reshape(1.0 + eps, (1, 1)).astype(f32)
    b1r = b1.reshape(1, 2 * H)
    g1r = g1.reshape(1, 2 * H)
    be1r = be1.reshape(1, 2 * H)
    b2r = b2.reshape(1, H)
    g2r = g2.reshape(1, H)
    be2r = be2.reshape(1, H)
    blr = bl.reshape(1, 2)

    row_spec = pl.BlockSpec((BLK, 4), lambda i: (i, 0))
    pblks = XROWS // BLK
    h, st1 = pl.pallas_call(
        _t1_body,
        grid=(NB,),
        in_specs=[
            pl.BlockSpec(memory_space=pltpu.SMEM),
            row_spec,
            pl.BlockSpec((BLK, DW), lambda i: (i, 0)),
            pl.BlockSpec((BLK, DW), lambda i: (i + pblks, 0)),
            _full_spec((4, 2 * H)),
            _full_spec((1, 2 * H)),
        ],
        out_specs=[
            pl.BlockSpec((BLK, 4), lambda i: (i, 0)),
            _full_spec((2, 2 * H)),
        ],
        out_shape=[
            jax.ShapeDtypeStruct((N, 4), f32),
            jax.ShapeDtypeStruct((2, 2 * H), f32),
        ],
    )(scale, x, partials, partials, W1, b1r)

    st2 = pl.pallas_call(
        _t2_body,
        grid=(NB,),
        in_specs=[
            row_spec,
            _full_spec((2, 2 * H)),
            _full_spec((4, 2 * H)),
            _full_spec((1, 2 * H)),
            _full_spec((1, 2 * H)),
            _full_spec((1, 2 * H)),
            _full_spec((2 * H, H)),
            _full_spec((1, H)),
        ],
        out_specs=_full_spec((2, H)),
        out_shape=jax.ShapeDtypeStruct((2, H), f32),
    )(h, st1, W1, b1r, g1r, be1r, W2, b2r)

    batch3 = batch.reshape(NB, 1, BLK)
    out = pl.pallas_call(
        _t3_body,
        grid=(NB,),
        in_specs=[
            row_spec,
            pl.BlockSpec((1, 1, BLK), lambda i: (i, 0, 0)),
            _full_spec((2, 2 * H)),
            _full_spec((2, H)),
            _full_spec((4, 2 * H)),
            _full_spec((1, 2 * H)),
            _full_spec((1, 2 * H)),
            _full_spec((1, 2 * H)),
            _full_spec((2 * H, H)),
            _full_spec((1, H)),
            _full_spec((1, H)),
            _full_spec((1, H)),
            _full_spec((H, 2)),
            _full_spec((1, 2)),
        ],
        out_specs=_full_spec((G, 2)),
        out_shape=jax.ShapeDtypeStruct((G, 2), f32),
        scratch_shapes=[
            pltpu.VMEM((G, H + 1), f32),
        ],
    )(h, batch3, st1, st2, W1, b1r, g1r, be1r, W2, b2r, g2r, be2r, Wl, blr)
    return out

# --- scband reference (transcript-rebuilt; emitter-appended) ---
"""Pipeline reference for scband-gin-19413252178639 (READ-ONLY COPY).

The authoritative reference and input builder live on the scoring server;
editing this copy changes nothing except your own understanding.
"""

import jax, jax.numpy as jnp
import numpy as np

N = 100000
E = 6400000
H = 64
G = 1024
BN_EPS = 1e-5


def setup_inputs(seed: int = 0) -> dict:
    key = jax.random.key(seed)
    ks = jax.random.split(key, 8)
    x = jax.random.normal(ks[0], (N, 4), dtype=jnp.float32)
    edge_index = jax.random.randint(ks[1], (2, E), 0, N, dtype=jnp.int32)
    batch = jnp.sort(jax.random.randint(ks[2], (N,), 0, G, dtype=jnp.int32))
    # learned parameters
    eps = jnp.zeros((), dtype=jnp.float32)  # GINConv train_eps, init 0
    W1 = jax.random.normal(ks[3], (4, 2 * H), dtype=jnp.float32) * 0.1
    b1 = jnp.zeros((2 * H,), dtype=jnp.float32)
    g1 = jnp.ones((2 * H,), dtype=jnp.float32)
    be1 = jnp.zeros((2 * H,), dtype=jnp.float32)
    W2 = jax.random.normal(ks[4], (2 * H, H), dtype=jnp.float32) * 0.1
    b2 = jnp.zeros((H,), dtype=jnp.float32)
    g2 = jnp.ones((H,), dtype=jnp.float32)
    be2 = jnp.zeros((H,), dtype=jnp.float32)
    Wl = jax.random.normal(ks[5], (H, 2), dtype=jnp.float32) * 0.1
    bl = jnp.zeros((2,), dtype=jnp.float32)
    return {"x": x, "eps": eps, "W1": W1, "b1": b1, "g1": g1, "be1": be1,
            "W2": W2, "b2": b2, "g2": g2, "be2": be2, "Wl": Wl, "bl": bl,
            "edge_index": edge_index, "batch": batch, "paper_count": G}


def _batchnorm(h, g, b):
    mu = jnp.mean(h, axis=0)
    var = jnp.var(h, axis=0)
    return (h - mu) / jnp.sqrt(var + BN_EPS) * g + b


def reference(x, eps, W1, b1, g1, be1, W2, b2, g2, be2, Wl, bl, edge_index, batch, paper_count):
    src = edge_index[0]
    dst = edge_index[1]
    # GINConv sum aggregation: gather neighbor features, scatter-add to dst
    agg = jax.ops.segment_sum(jnp.take(x, src, axis=0), dst, num_segments=N)
    h = (1.0 + eps) * x + agg
    # MLP: Linear(4, 2H) -> BN -> ReLU -> Linear(2H, H) -> BN -> ReLU
    h = h @ W1 + b1
    h = jax.nn.relu(_batchnorm(h, g1, be1))
    h = h @ W2 + b2
    h = jax.nn.relu(_batchnorm(h, g2, be2))
    # dropout is identity in eval mode
    # global_mean_pool over batch assignment
    counts = jax.ops.segment_sum(jnp.ones((N,), jnp.float32), batch, num_segments=G)
    pooled = jax.ops.segment_sum(h, batch, num_segments=G) / jnp.clip(counts, 1.0)[:, None]
    logits = pooled @ Wl + bl
    return jax.nn.log_softmax(logits, axis=-1)

if __name__ == "__main__":
    import jax
    _d = setup_inputs()
    print(jax.jit(kernel)(*tuple(_d.values())))

</pallas_src>

<mosaic_0001>
#map = affine_map<(d0, d1) -> (0, 0)>
module attributes {stable_mosaic.version = 14 : i64} {
  func.func @_seg_mesh_kernel(%arg0: i32, %arg1: i32, %arg2: memref<104000x8xf32, #tpu.memory_space<hbm>>, %arg3: memref<2x6400000xi32, #tpu.memory_space<hbm>>, %arg4: memref<104000x8xf32, #tpu.memory_space<hbm>>, %arg5: memref<208000x8xf32, #tpu.memory_space<hbm>>, %arg6: memref<1000xi32, #tpu.memory_space<vmem>>, %arg7: memref<1000xi32, #tpu.memory_space<vmem>>, %arg8: memref<1000xi32, #tpu.memory_space<vmem>>, %arg9: memref<1000xi32, #tpu.memory_space<vmem>>, %arg10: memref<1000xi32, #tpu.memory_space<vmem>>, %arg11: memref<1000xi32, #tpu.memory_space<vmem>>, %arg12: memref<1000xi32, #tpu.memory_space<vmem>>, %arg13: memref<1000xi32, #tpu.memory_space<vmem>>, %arg14: memref<1000x8xf32, #tpu.memory_space<vmem>>, %arg15: memref<1000x8xf32, #tpu.memory_space<vmem>>, %arg16: memref<1000x8xf32, #tpu.memory_space<vmem>>, %arg17: memref<1000x8xf32, #tpu.memory_space<vmem>>, %arg18: memref<104000x8xf32, #tpu.memory_space<vmem_shared>>, %arg19: memref<!tpu.dma_semaphore, #tpu.memory_space<semaphore_mem>>, %arg20: memref<!tpu.dma_semaphore, #tpu.memory_space<semaphore_mem>>, %arg21: memref<!tpu.dma_semaphore, #tpu.memory_space<semaphore_mem>>) attributes {dimension_semantics = [#tpu.dimension_semantics<core_parallel>, #tpu.dimension_semantics<subcore_parallel>], iteration_bounds = array<i64: 2, 16>, scalar_prefetch = 0 : i64, scratch_operands = 16 : i64, tpu.core_type = #tpu.core_type<sc_vector_subcore>, window_params = [{transform_indices = #map}, {transform_indices = #map}, {transform_indices = #map}, {transform_indices = #map}]} {
    %mul3A = arith.constant 2 : i32
    %mul3A_0 = arith.muli %arg1, %mul3A : i32
    %add3A = arith.addi %mul3A_0, %arg0 : i32
    %mul3A_1 = arith.constant 6500 : i32
    %mul3A_2 = arith.muli %arg1, %mul3A_1 : i32
    %mul3A_3 = arith.constant 6500 : i32
    %mul3A_4 = arith.muli %arg1, %mul3A_3 : i32
    "tpu.region"() ({
      %run_scoped3A = tpu.sem_alloc : memref<!tpu.dma_semaphore, #tpu.memory_space<semaphore_mem>>
      %dma_start3A = arith.constant 0 : i32
      %dma_start3A_41 = tpu.memref_slice %arg18[%mul3A_4, %dma_start3A] : memref<104000x8xf32, #tpu.memory_space<vmem_shared>> -> memref<6500x8xf32, #tpu.memory_space<vmem_shared>>
      %dma_start3A_42 = arith.constant 0 : i32
      %dma_start3A_43 = tpu.memref_slice %arg4[%mul3A_2, %dma_start3A_42] : memref<104000x8xf32, #tpu.memory_space<hbm>> -> memref<6500x8xf32, #tpu.memory_space<hbm>>
      tpu.enqueue_dma source(%dma_start3A_43 : memref<6500x8xf32, #tpu.memory_space<hbm>>) target(%dma_start3A_41 : memref<6500x8xf32, #tpu.memory_space<vmem_shared>>) target_semaphore(%run_scoped3A : memref<!tpu.dma_semaphore, #tpu.memory_space<semaphore_mem>>)
      %dma_wait3A_44 = arith.constant 0 : i32
      %dma_wait3A_45 = tpu.memref_slice %arg18[%mul3A_4, %dma_wait3A_44] : memref<104000x8xf32, #tpu.memory_space<vmem_shared>> -> memref<6500x8xf32, #tpu.memory_space<vmem_shared>>
      %dma_wait3A_46 = arith.constant 0 : i32
      %dma_wait3A_47 = tpu.memref_slice %arg4[%mul3A_2, %dma_wait3A_46] : memref<104000x8xf32, #tpu.memory_space<hbm>> -> memref<6500x8xf32, #tpu.memory_space<hbm>>
      tpu.wait_dma2 semaphore(%run_scoped3A : memref<!tpu.dma_semaphore, #tpu.memory_space<semaphore_mem>>) src(%dma_wait3A_47 : memref<6500x8xf32, #tpu.memory_space<hbm>>) dst(%dma_wait3A_45 : memref<6500x8xf32, #tpu.memory_space<vmem_shared>>)
      tpu.yield
    }) : () -> ()
    %barrier3A = arith.constant 0 : index
    tpu.barrier barrier_id(%barrier3A)
    %scan3A = arith.constant 0 : i32
    %scan3A_5 = arith.constant 0 : i32
    %scan3A_6 = arith.constant 50 : i32
    %scan3A_7 = arith.addi %scan3A_5, %scan3A_6 : i32
    %scan3A_8 = arith.constant 1 : i32
    scf.for %scan3A_41 = %scan3A_5 to %scan3A_7 step %scan3A_8  : i32 {
      %mul3A_42 = arith.constant 200000 : i32
      %mul3A_43 = arith.muli %add3A, %mul3A_42 : i32
      %mul3A_44 = arith.constant 4000 : i32
      %mul3A_45 = arith.muli %scan3A_41, %mul3A_44 : i32
      %add3A_46 = arith.addi %mul3A_43, %mul3A_45 : i32
      %add3A_47 = arith.constant 0 : i32
      %add3A_48 = arith.addi %add3A_46, %add3A_47 : i32
      %dma_start3A = arith.constant 0 : i32
      %dma_start3A_49 = tpu.memref_slice %arg3[%dma_start3A, %add3A_48] : memref<2x6400000xi32, #tpu.memory_space<hbm>> -> memref<1x1000xi32, #tpu.memory_space<hbm>>
      %dma_start3A_50 = tpu.memref_squeeze %dma_start3A_49 : memref<1x1000xi32, #tpu.memory_space<hbm>> -> memref<1000xi32, #tpu.memory_space<hbm>>
      %dma_start3A_51 = tpu.memref_slice %arg3[%dma_start3A, %add3A_48] : memref<2x6400000xi32, #tpu.memory_space<hbm>> -> memref<1x1000xi32, #tpu.memory_space<hbm>>
      %dma_start3A_52 = tpu.memref_squeeze %dma_start3A_51 : memref<1x1000xi32, #tpu.memory_space<hbm>> -> memref<1000xi32, #tpu.memory_space<hbm>>
      tpu.enqueue_dma source(%dma_start3A_52 : memref<1000xi32, #tpu.memory_space<hbm>>) target(%arg6 : memref<1000xi32, #tpu.memory_space<vmem>>) target_semaphore(%arg19 : memref<!tpu.dma_semaphore, #tpu.memory_space<semaphore_mem>>)
      %add3A_53 = arith.constant 0 : i32
      %add3A_54 = arith.addi %add3A_46, %add3A_53 : i32
      %dma_start3A_55 = arith.constant 1 : i32
      %dma_start3A_56 = tpu.memref_slice %arg3[%dma_start3A_55, %add3A_54] : memref<2x6400000xi32, #tpu.memory_space<hbm>> -> memref<1x1000xi32, #tpu.memory_space<hbm>>
      %dma_start3A_57 = tpu.memref_squeeze %dma_start3A_56 : memref<1x1000xi32, #tpu.memory_space<hbm>> -> memref<1000xi32, #tpu.memory_space<hbm>>
      %dma_start3A_58 = tpu.memref_slice %arg3[%dma_start3A_55, %add3A_54] : memref<2x6400000xi32, #tpu.memory_space<hbm>> -> memref<1x1000xi32, #tpu.memory_space<hbm>>
      %dma_start3A_59 = tpu.memref_squeeze %dma_start3A_58 : memref<1x1000xi32, #tpu.memory_space<hbm>> -> memref<1000xi32, #tpu.memory_space<hbm>>
      tpu.enqueue_dma source(%dma_start3A_59 : memref<1000xi32, #tpu.memory_space<hbm>>) target(%arg10 : memref<1000xi32, #tpu.memory_space<vmem>>) target_semaphore(%arg19 : memref<!tpu.dma_semaphore, #tpu.memory_space<semaphore_mem>>)
      %add3A_60 = arith.constant 1000 : i32
      %add3A_61 = arith.addi %add3A_46, %add3A_60 : i32
      %dma_start3A_62 = arith.constant 0 : i32
      %dma_start3A_63 = tpu.memref_slice %arg3[%dma_start3A_62, %add3A_61] : memref<2x6400000xi32, #tpu.memory_space<hbm>> -> memref<1x1000xi32, #tpu.memory_space<hbm>>
      %dma_start3A_64 = tpu.memref_squeeze %dma_start3A_63 : memref<1x1000xi32, #tpu.memory_space<hbm>> -> memref<1000xi32, #tpu.memory_space<hbm>>
      %dma_start3A_65 = tpu.memref_slice %arg3[%dma_start3A_62, %add3A_61] : memref<2x6400000xi32, #tpu.memory_space<hbm>> -> memref<1x1000xi32, #tpu.memory_space<hbm>>
      %dma_start3A_66 = tpu.memref_squeeze %dma_start3A_65 : memref<1x1000xi32, #tpu.memory_space<hbm>> -> memref<1000xi32, #tpu.memory_space<hbm>>
      tpu.enqueue_dma source(%dma_start3A_66 : memref<1000xi32, #tpu.memory_space<hbm>>) target(%arg7 : memref<1000xi32, #tpu.memory_space<vmem>>) target_semaphore(%arg19 : memref<!tpu.dma_semaphore, #tpu.memory_space<semaphore_mem>>)
      %add3A_67 = arith.constant 1000 : i32
      %add3A_68 = arith.addi %add3A_46, %add3A_67 : i32
      %dma_start3A_69 = arith.constant 1 : i32
      %dma_start3A_70 = tpu.memref_slice %arg3[%dma_start3A_69, %add3A_68] : memref<2x6400000xi32, #tpu.memory_space<hbm>> -> memref<1x1000xi32, #tpu.memory_space<hbm>>
      %dma_start3A_71 = tpu.memref_squeeze %dma_start3A_70 : memref<1x1000xi32, #tpu.memory_space<hbm>> -> memref<1000xi32, #tpu.memory_space<hbm>>
      %dma_start3A_72 = tpu.memref_slice %arg3[%dma_start3A_69, %add3A_68] : memref<2x6400000xi32, #tpu.memory_space<hbm>> -> memref<1x1000xi32, #tpu.memory_space<hbm>>
      %dma_start3A_73 = tpu.memref_squeeze %dma_start3A_72 : memref<1x1000xi32, #tpu.memory_space<hbm>> -> memref<1000xi32, #tpu.memory_space<hbm>>
      tpu.enqueue_dma source(%dma_start3A_73 : memref<1000xi32, #tpu.memory_space<hbm>>) target(%arg11 : memref<1000xi32, #tpu.memory_space<vmem>>) target_semaphore(%arg19 : memref<!tpu.dma_semaphore, #tpu.memory_space<semaphore_mem>>)
      %add3A_74 = arith.constant 2000 : i32
      %add3A_75 = arith.addi %add3A_46, %add3A_74 : i32
      %dma_start3A_76 = arith.constant 0 : i32
      %dma_start3A_77 = tpu.memref_slice %arg3[%dma_start3A_76, %add3A_75] : memref<2x6400000xi32, #tpu.memory_space<hbm>> -> memref<1x1000xi32, #tpu.memory_space<hbm>>
      %dma_start3A_78 = tpu.memref_squeeze %dma_start3A_77 : memref<1x1000xi32, #tpu.memory_space<hbm>> -> memref<1000xi32, #tpu.memory_space<hbm>>
      %dma_start3A_79 = tpu.memref_slice %arg3[%dma_start3A_76, %add3A_75] : memref<2x6400000xi32, #tpu.memory_space<hbm>> -> memref<1x1000xi32, #tpu.memory_space<hbm>>
      %dma_start3A_80 = tpu.memref_squeeze %dma_start3A_79 : memref<1x1000xi32, #tpu.memory_space<hbm>> -> memref<1000xi32, #tpu.memory_space<hbm>>
      tpu.enqueue_dma source(%dma_start3A_80 : memref<1000xi32, #tpu.memory_space<hbm>>) target(%arg8 : memref<1000xi32, #tpu.memory_space<vmem>>) target_semaphore(%arg19 : memref<!tpu.dma_semaphore, #tpu.memory_space<semaphore_mem>>)
      %add3A_81 = arith.constant 2000 : i32
      %add3A_82 = arith.addi %add3A_46, %add3A_81 : i32
      %dma_start3A_83 = arith.constant 1 : i32
      %dma_start3A_84 = tpu.memref_slice %arg3[%dma_start3A_83, %add3A_82] : memref<2x6400000xi32, #tpu.memory_space<hbm>> -> memref<1x1000xi32, #tpu.memory_space<hbm>>
      %dma_start3A_85 = tpu.memref_squeeze %dma_start3A_84 : memref<1x1000xi32, #tpu.memory_space<hbm>> -> memref<1000xi32, #tpu.memory_space<hbm>>
      %dma_start3A_86 = tpu.memref_slice %arg3[%dma_start3A_83, %add3A_82] : memref<2x6400000xi32, #tpu.memory_space<hbm>> -> memref<1x1000xi32, #tpu.memory_space<hbm>>
      %dma_start3A_87 = tpu.memref_squeeze %dma_start3A_86 : memref<1x1000xi32, #tpu.memory_space<hbm>> -> memref<1000xi32, #tpu.memory_space<hbm>>
      tpu.enqueue_dma source(%dma_start3A_87 : memref<1000xi32, #tpu.memory_space<hbm>>) target(%arg12 : memref<1000xi32, #tpu.memory_space<vmem>>) target_semaphore(%arg19 : memref<!tpu.dma_semaphore, #tpu.memory_space<semaphore_mem>>)
      %add3A_88 = arith.constant 3000 : i32
      %add3A_89 = arith.addi %add3A_46, %add3A_88 : i32
      %dma_start3A_90 = arith.constant 0 : i32
      %dma_start3A_91 = tpu.memref_slice %arg3[%dma_start3A_90, %add3A_89] : memref<2x6400000xi32, #tpu.memory_space<hbm>> -> memref<1x1000xi32, #tpu.memory_space<hbm>>
      %dma_start3A_92 = tpu.memref_squeeze %dma_start3A_91 : memref<1x1000xi32, #tpu.memory_space<hbm>> -> memref<1000xi32, #tpu.memory_space<hbm>>
      %dma_start3A_93 = tpu.memref_slice %arg3[%dma_start3A_90, %add3A_89] : memref<2x6400000xi32, #tpu.memory_space<hbm>> -> memref<1x1000xi32, #tpu.memory_space<hbm>>
      %dma_start3A_94 = tpu.memref_squeeze %dma_start3A_93 : memref<1x1000xi32, #tpu.memory_space<hbm>> -> memref<1000xi32, #tpu.memory_space<hbm>>
      tpu.enqueue_dma source(%dma_start3A_94 : memref<1000xi32, #tpu.memory_space<hbm>>) target(%arg9 : memref<1000xi32, #tpu.memory_space<vmem>>) target_semaphore(%arg19 : memref<!tpu.dma_semaphore, #tpu.memory_space<semaphore_mem>>)
      %add3A_95 = arith.constant 3000 : i32
      %add3A_96 = arith.addi %add3A_46, %add3A_95 : i32
      %dma_start3A_97 = arith.constant 1 : i32
      %dma_start3A_98 = tpu.memref_slice %arg3[%dma_start3A_97, %add3A_96] : memref<2x6400000xi32, #tpu.memory_space<hbm>> -> memref<1x1000xi32, #tpu.memory_space<hbm>>
      %dma_start3A_99 = tpu.memref_squeeze %dma_start3A_98 : memref<1x1000xi32, #tpu.memory_space<hbm>> -> memref<1000xi32, #tpu.memory_space<hbm>>
      %dma_start3A_100 = tpu.memref_slice %arg3[%dma_start3A_97, %add3A_96] : memref<2x6400000xi32, #tpu.memory_space<hbm>> -> memref<1x1000xi32, #tpu.memory_space<hbm>>
      %dma_start3A_101 = tpu.memref_squeeze %dma_start3A_100 : memref<1x1000xi32, #tpu.memory_space<hbm>> -> memref<1000xi32, #tpu.memory_space<hbm>>
      tpu.enqueue_dma source(%dma_start3A_101 : memref<1000xi32, #tpu.memory_space<hbm>>) target(%arg13 : memref<1000xi32, #tpu.memory_space<vmem>>) target_semaphore(%arg19 : memref<!tpu.dma_semaphore, #tpu.memory_space<semaphore_mem>>)
      %gt3A = arith.constant 0 : i32
      %gt3A_102 = arith.cmpi sgt, %scan3A_41, %gt3A : i32
      %convert_element_type3A = arith.extui %gt3A_102 : i1 to i32
      %cond3A = arith.constant 0 : i32
      %cond3A_103 = arith.cmpi ne, %convert_element_type3A, %cond3A : i32
      scf.if %cond3A_103 {
        %dma_wait3A_180 = arith.constant 0 : i32
        %dma_wait3A_181 = arith.constant 0 : i32
        %dma_wait3A_182 = tpu.memref_slice %arg2[%dma_wait3A_180, %dma_wait3A_181] : memref<104000x8xf32, #tpu.memory_space<hbm>> -> memref<1000x8xf32, #tpu.memory_space<hbm>>
        %dma_wait3A_183 = arith.constant 0 : i32
        %dma_wait3A_184 = arith.constant 0 : i32
        %dma_wait3A_185 = tpu.memref_slice %arg2[%dma_wait3A_183, %dma_wait3A_184] : memref<104000x8xf32, #tpu.memory_space<hbm>> -> memref<1000x8xf32, #tpu.memory_space<hbm>>
        tpu.wait_dma2 semaphore(%arg21 : memref<!tpu.dma_semaphore, #tpu.memory_space<semaphore_mem>>) src(%dma_wait3A_185 : memref<1000x8xf32, #tpu.memory_space<hbm>>) dst(%arg14 : memref<1000x8xf32, #tpu.memory_space<vmem>>)
        %dma_wait3A_186 = arith.constant 0 : i32
        %dma_wait3A_187 = arith.constant 0 : i32
        %dma_wait3A_188 = tpu.memref_slice %arg2[%dma_wait3A_186, %dma_wait3A_187] : memref<104000x8xf32, #tpu.memory_space<hbm>> -> memref<1000x8xf32, #tpu.memory_space<hbm>>
        %dma_wait3A_189 = arith.constant 0 : i32
        %dma_wait3A_190 = arith.constant 0 : i32
        %dma_wait3A_191 = tpu.memref_slice %arg2[%dma_wait3A_189, %dma_wait3A_190] : memref<104000x8xf32, #tpu.memory_space<hbm>> -> memref<1000x8xf32, #tpu.memory_space<hbm>>
        tpu.wait_dma2 semaphore(%arg21 : memref<!tpu.dma_semaphore, #tpu.memory_space<semaphore_mem>>) src(%dma_wait3A_191 : memref<1000x8xf32, #tpu.memory_space<hbm>>) dst(%arg15 : memref<1000x8xf32, #tpu.memory_space<vmem>>)
        %dma_wait3A_192 = arith.constant 0 : i32
        %dma_wait3A_193 = arith.constant 0 : i32
        %dma_wait3A_194 = tpu.memref_slice %arg2[%dma_wait3A_192, %dma_wait3A_193] : memref<104000x8xf32, #tpu.memory_space<hbm>> -> memref<1000x8xf32, #tpu.memory_space<hbm>>
        %dma_wait3A_195 = arith.constant 0 : i32
        %dma_wait3A_196 = arith.constant 0 : i32
        %dma_wait3A_197 = tpu.memref_slice %arg2[%dma_wait3A_195, %dma_wait3A_196] : memref<104000x8xf32, #tpu.memory_space<hbm>> -> memref<1000x8xf32, #tpu.memory_space<hbm>>
        tpu.wait_dma2 semaphore(%arg21 : memref<!tpu.dma_semaphore, #tpu.memory_space<semaphore_mem>>) src(%dma_wait3A_197 : memref<1000x8xf32, #tpu.memory_space<hbm>>) dst(%arg16 : memref<1000x8xf32, #tpu.memory_space<vmem>>)
        %dma_wait3A_198 = arith.constant 0 : i32
        %dma_wait3A_199 = arith.constant 0 : i32
        %dma_wait3A_200 = tpu.memref_slice %arg2[%dma_wait3A_198, %dma_wait3A_199] : memref<104000x8xf32, #tpu.memory_space<hbm>> -> memref<1000x8xf32, #tpu.memory_space<hbm>>
        %dma_wait3A_201 = arith.constant 0 : i32
        %dma_wait3A_202 = arith.constant 0 : i32
        %dma_wait3A_203 = tpu.memref_slice %arg2[%dma_wait3A_201, %dma_wait3A_202] : memref<104000x8xf32, #tpu.memory_space<hbm>> -> memref<1000x8xf32, #tpu.memory_space<hbm>>
        tpu.wait_dma2 semaphore(%arg21 : memref<!tpu.dma_semaphore, #tpu.memory_space<semaphore_mem>>) src(%dma_wait3A_203 : memref<1000x8xf32, #tpu.memory_space<hbm>>) dst(%arg17 : memref<1000x8xf32, #tpu.memory_space<vmem>>)
      } else {
      }
      %dma_wait3A_104 = arith.constant 0 : i32
      %dma_wait3A_105 = tpu.memref_slice %arg3[%dma_wait3A_104, %add3A_48] : memref<2x6400000xi32, #tpu.memory_space<hbm>> -> memref<1x1000xi32, #tpu.memory_space<hbm>>
      %dma_wait3A_106 = tpu.memref_squeeze %dma_wait3A_105 : memref<1x1000xi32, #tpu.memory_space<hbm>> -> memref<1000xi32, #tpu.memory_space<hbm>>
      %dma_wait3A_107 = tpu.memref_slice %arg3[%dma_wait3A_104, %add3A_48] : memref<2x6400000xi32, #tpu.memory_space<hbm>> -> memref<1x1000xi32, #tpu.memory_space<hbm>>
      %dma_wait3A_108 = tpu.memref_squeeze %dma_wait3A_107 : memref<1x1000xi32, #tpu.memory_space<hbm>> -> memref<1000xi32, #tpu.memory_space<hbm>>
      tpu.wait_dma2 semaphore(%arg19 : memref<!tpu.dma_semaphore, #tpu.memory_space<semaphore_mem>>) src(%dma_wait3A_108 : memref<1000xi32, #tpu.memory_space<hbm>>) dst(%arg6 : memref<1000xi32, #tpu.memory_space<vmem>>)
      %dma_wait3A_109 = arith.constant 1 : i32
      %dma_wait3A_110 = tpu.memref_slice %arg3[%dma_wait3A_109, %add3A_54] : memref<2x6400000xi32, #tpu.memory_space<hbm>> -> memref<1x1000xi32, #tpu.memory_space<hbm>>
      %dma_wait3A_111 = tpu.memref_squeeze %dma_wait3A_110 : memref<1x1000xi32, #tpu.memory_space<hbm>> -> memref<1000xi32, #tpu.memory_space<hbm>>
      %dma_wait3A_112 = tpu.memref_slice %arg3[%dma_wait3A_109, %add3A_54] : memref<2x6400000xi32, #tpu.memory_space<hbm>> -> memref<1x1000xi32, #tpu.memory_space<hbm>>
      %dma_wait3A_113 = tpu.memref_squeeze %dma_wait3A_112 : memref<1x1000xi32, #tpu.memory_space<hbm>> -> memref<1000xi32, #tpu.memory_space<hbm>>
      tpu.wait_dma2 semaphore(%arg19 : memref<!tpu.dma_semaphore, #tpu.memory_space<semaphore_mem>>) src(%dma_wait3A_113 : memref<1000xi32, #tpu.memory_space<hbm>>) dst(%arg10 : memref<1000xi32, #tpu.memory_space<vmem>>)
      %dma_wait3A_114 = arith.constant 0 : i32
      %dma_wait3A_115 = tpu.memref_slice %arg3[%dma_wait3A_114, %add3A_61] : memref<2x6400000xi32, #tpu.memory_space<hbm>> -> memref<1x1000xi32, #tpu.memory_space<hbm>>
      %dma_wait3A_116 = tpu.memref_squeeze %dma_wait3A_115 : memref<1x1000xi32, #tpu.memory_space<hbm>> -> memref<1000xi32, #tpu.memory_space<hbm>>
      %dma_wait3A_117 = tpu.memref_slice %arg3[%dma_wait3A_114, %add3A_61] : memref<2x6400000xi32, #tpu.memory_space<hbm>> -> memref<1x1000xi32, #tpu.memory_space<hbm>>
      %dma_wait3A_118 = tpu.memref_squeeze %dma_wait3A_117 : memref<1x1000xi32, #tpu.memory_space<hbm>> -> memref<1000xi32, #tpu.memory_space<hbm>>
      tpu.wait_dma2 semaphore(%arg19 : memref<!tpu.dma_semaphore, #tpu.memory_space<semaphore_mem>>) src(%dma_wait3A_118 : memref<1000xi32, #tpu.memory_space<hbm>>) dst(%arg7 : memref<1000xi32, #tpu.memory_space<vmem>>)
      %dma_wait3A_119 = arith.constant 1 : i32
      %dma_wait3A_120 = tpu.memref_slice %arg3[%dma_wait3A_119, %add3A_68] : memref<2x6400000xi32, #tpu.memory_space<hbm>> -> memref<1x1000xi32, #tpu.memory_space<hbm>>
      %dma_wait3A_121 = tpu.memref_squeeze %dma_wait3A_120 : memref<1x1000xi32, #tpu.memory_space<hbm>> -> memref<1000xi32, #tpu.memory_space<hbm>>
      %dma_wait3A_122 = tpu.memref_slice %arg3[%dma_wait3A_119, %add3A_68] : memref<2x6400000xi32, #tpu.memory_space<hbm>> -> memref<1x1000xi32, #tpu.memory_space<hbm>>
      %dma_wait3A_123 = tpu.memref_squeeze %dma_wait3A_122 : memref<1x1000xi32, #tpu.memory_space<hbm>> -> memref<1000xi32, #tpu.memory_space<hbm>>
      tpu.wait_dma2 semaphore(%arg19 : memref<!tpu.dma_semaphore, #tpu.memory_space<semaphore_mem>>) src(%dma_wait3A_123 : memref<1000xi32, #tpu.memory_space<hbm>>) dst(%arg11 : memref<1000xi32, #tpu.memory_space<vmem>>)
      %dma_wait3A_124 = arith.constant 0 : i32
      %dma_wait3A_125 = tpu.memref_slice %arg3[%dma_wait3A_124, %add3A_75] : memref<2x6400000xi32, #tpu.memory_space<hbm>> -> memref<1x1000xi32, #tpu.memory_space<hbm>>
      %dma_wait3A_126 = tpu.memref_squeeze %dma_wait3A_125 : memref<1x1000xi32, #tpu.memory_space<hbm>> -> memref<1000xi32, #tpu.memory_space<hbm>>
      %dma_wait3A_127 = tpu.memref_slice %arg3[%dma_wait3A_124, %add3A_75] : memref<2x6400000xi32, #tpu.memory_space<hbm>> -> memref<1x1000xi32, #tpu.memory_space<hbm>>
      %dma_wait3A_128 = tpu.memref_squeeze %dma_wait3A_127 : memref<1x1000xi32, #tpu.memory_space<hbm>> -> memref<1000xi32, #tpu.memory_space<hbm>>
      tpu.wait_dma2 semaphore(%arg19 : memref<!tpu.dma_semaphore, #tpu.memory_space<semaphore_mem>>) src(%dma_wait3A_128 : memref<1000xi32, #tpu.memory_space<hbm>>) dst(%arg8 : memref<1000xi32, #tpu.memory_space<vmem>>)
      %dma_wait3A_129 = arith.constant 1 : i32
      %dma_wait3A_130 = tpu.memref_slice %arg3[%dma_wait3A_129, %add3A_82] : memref<2x6400000xi32, #tpu.memory_space<hbm>> -> memref<1x1000xi32, #tpu.memory_space<hbm>>
      %dma_wait3A_131 = tpu.memref_squeeze %dma_wait3A_130 : memref<1x1000xi32, #tpu.memory_space<hbm>> -> memref<1000xi32, #tpu.memory_space<hbm>>
      %dma_wait3A_132 = tpu.memref_slice %arg3[%dma_wait3A_129, %add3A_82] : memref<2x6400000xi32, #tpu.memory_space<hbm>> -> memref<1x1000xi32, #tpu.memory_space<hbm>>
      %dma_wait3A_133 = tpu.memref_squeeze %dma_wait3A_132 : memref<1x1000xi32, #tpu.memory_space<hbm>> -> memref<1000xi32, #tpu.memory_space<hbm>>
      tpu.wait_dma2 semaphore(%arg19 : memref<!tpu.dma_semaphore, #tpu.memory_space<semaphore_mem>>) src(%dma_wait3A_133 : memref<1000xi32, #tpu.memory_space<hbm>>) dst(%arg12 : memref<1000xi32, #tpu.memory_space<vmem>>)
      %dma_wait3A_134 = arith.constant 0 : i32
      %dma_wait3A_135 = tpu.memref_slice %arg3[%dma_wait3A_134, %add3A_89] : memref<2x6400000xi32, #tpu.memory_space<hbm>> -> memref<1x1000xi32, #tpu.memory_space<hbm>>
      %dma_wait3A_136 = tpu.memref_squeeze %dma_wait3A_135 : memref<1x1000xi32, #tpu.memory_space<hbm>> -> memref<1000xi32, #tpu.memory_space<hbm>>
      %dma_wait3A_137 = tpu.memref_slice %arg3[%dma_wait3A_134, %add3A_89] : memref<2x6400000xi32, #tpu.memory_space<hbm>> -> memref<1x1000xi32, #tpu.memory_space<hbm>>
      %dma_wait3A_138 = tpu.memref_squeeze %dma_wait3A_137 : memref<1x1000xi32, #tpu.memory_space<hbm>> -> memref<1000xi32, #tpu.memory_space<hbm>>
      tpu.wait_dma2 semaphore(%arg19 : memref<!tpu.dma_semaphore, #tpu.memory_space<semaphore_mem>>) src(%dma_wait3A_138 : memref<1000xi32, #tpu.memory_space<hbm>>) dst(%arg9 : memref<1000xi32, #tpu.memory_space<vmem>>)
      %dma_wait3A_139 = arith.constant 1 : i32
      %dma_wait3A_140 = tpu.memref_slice %arg3[%dma_wait3A_139, %add3A_96] : memref<2x6400000xi32, #tpu.memory_space<hbm>> -> memref<1x1000xi32, #tpu.memory_space<hbm>>
      %dma_wait3A_141 = tpu.memref_squeeze %dma_wait3A_140 : memref<1x1000xi32, #tpu.memory_space<hbm>> -> memref<1000xi32, #tpu.memory_space<hbm>>
      %dma_wait3A_142 = tpu.memref_slice %arg3[%dma_wait3A_139, %add3A_96] : memref<2x6400000xi32, #tpu.memory_space<hbm>> -> memref<1x1000xi32, #tpu.memory_space<hbm>>
      %dma_wait3A_143 = tpu.memref_squeeze %dma_wait3A_142 : memref<1x1000xi32, #tpu.memory_space<hbm>> -> memref<1000xi32, #tpu.memory_space<hbm>>
      tpu.wait_dma2 semaphore(%arg19 : memref<!tpu.dma_semaphore, #tpu.memory_space<semaphore_mem>>) src(%dma_wait3A_143 : memref<1000xi32, #tpu.memory_space<hbm>>) dst(%arg13 : memref<1000xi32, #tpu.memory_space<vmem>>)
      %dma_start3A_144 = arith.constant 0 : i32
      %dma_start3A_145 = arith.constant 0 : i32
      %dma_start3A_146 = tpu.memref_slice %arg2[%dma_start3A_144, %dma_start3A_145] : memref<104000x8xf32, #tpu.memory_space<hbm>> -> memref<104000x8xf32, #tpu.memory_space<hbm>>
      tpu.enqueue_indirect_dma source(%dma_start3A_146 : memref<104000x8xf32, #tpu.memory_space<hbm>>) target(%arg14 : memref<1000x8xf32, #tpu.memory_space<vmem>>) offsets(%arg6 : memref<1000xi32, #tpu.memory_space<vmem>>) semaphore(%arg20 : memref<!tpu.dma_semaphore, #tpu.memory_space<semaphore_mem>>)
      %dma_start3A_147 = arith.constant 0 : i32
      %dma_start3A_148 = arith.constant 0 : i32
      %dma_start3A_149 = tpu.memref_slice %arg2[%dma_start3A_147, %dma_start3A_148] : memref<104000x8xf32, #tpu.memory_space<hbm>> -> memref<104000x8xf32, #tpu.memory_space<hbm>>
      tpu.enqueue_indirect_dma source(%dma_start3A_149 : memref<104000x8xf32, #tpu.memory_space<hbm>>) target(%arg15 : memref<1000x8xf32, #tpu.memory_space<vmem>>) offsets(%arg7 : memref<1000xi32, #tpu.memory_space<vmem>>) semaphore(%arg20 : memref<!tpu.dma_semaphore, #tpu.memory_space<semaphore_mem>>)
      %dma_start3A_150 = arith.constant 0 : i32
      %dma_start3A_151 = arith.constant 0 : i32
      %dma_start3A_152 = tpu.memref_slice %arg2[%dma_start3A_150, %dma_start3A_151] : memref<104000x8xf32, #tpu.memory_space<hbm>> -> memref<104000x8xf32, #tpu.memory_space<hbm>>
      tpu.enqueue_indirect_dma source(%dma_start3A_152 : memref<104000x8xf32, #tpu.memory_space<hbm>>) target(%arg16 : memref<1000x8xf32, #tpu.memory_space<vmem>>) offsets(%arg8 : memref<1000xi32, #tpu.memory_space<vmem>>) semaphore(%arg20 : memref<!tpu.dma_semaphore, #tpu.memory_space<semaphore_mem>>)
      %dma_start3A_153 = arith.constant 0 : i32
      %dma_start3A_154 = arith.constant 0 : i32
      %dma_start3A_155 = tpu.memref_slice %arg2[%dma_start3A_153, %dma_start3A_154] : memref<104000x8xf32, #tpu.memory_space<hbm>> -> memref<104000x8xf32, #tpu.memory_space<hbm>>
      tpu.enqueue_indirect_dma source(%dma_start3A_155 : memref<104000x8xf32, #tpu.memory_space<hbm>>) target(%arg17 : memref<1000x8xf32, #tpu.memory_space<vmem>>) offsets(%arg9 : memref<1000xi32, #tpu.memory_space<vmem>>) semaphore(%arg20 : memref<!tpu.dma_semaphore, #tpu.memory_space<semaphore_mem>>)
      %dma_wait3A_156 = arith.constant 0 : i32
      %dma_wait3A_157 = arith.constant 0 : i32
      %dma_wait3A_158 = tpu.memref_slice %arg2[%dma_wait3A_156, %dma_wait3A_157] : memref<104000x8xf32, #tpu.memory_space<hbm>> -> memref<104000x8xf32, #tpu.memory_space<hbm>>
      tpu.wait_indirect_dma semaphore(%arg20 : memref<!tpu.dma_semaphore, #tpu.memory_space<semaphore_mem>>) src(%dma_wait3A_158 : memref<104000x8xf32, #tpu.memory_space<hbm>>) dst(%arg14 : memref<1000x8xf32, #tpu.memory_space<vmem>>)
      %dma_start3A_159 = arith.constant 0 : i32
      %dma_start3A_160 = arith.constant 0 : i32
      %dma_start3A_161 = tpu.memref_slice %arg18[%dma_start3A_159, %dma_start3A_160] : memref<104000x8xf32, #tpu.memory_space<vmem_shared>> -> memref<104000x8xf32, #tpu.memory_space<vmem_shared>>
      tpu.enqueue_indirect_dma source(%arg14 : memref<1000x8xf32, #tpu.memory_space<vmem>>) target(%dma_start3A_161 : memref<104000x8xf32, #tpu.memory_space<vmem_shared>>) offsets(%arg10 : memref<1000xi32, #tpu.memory_space<vmem>>) semaphore(%arg21 : memref<!tpu.dma_semaphore, #tpu.memory_space<semaphore_mem>>) {add = true}
      %dma_wait3A_162 = arith.constant 0 : i32
      %dma_wait3A_163 = arith.constant 0 : i32
      %dma_wait3A_164 = tpu.memref_slice %arg2[%dma_wait3A_162, %dma_wait3A_163] : memref<104000x8xf32, #tpu.memory_space<hbm>> -> memref<104000x8xf32, #tpu.memory_space<hbm>>
      tpu.wait_indirect_dma semaphore(%arg20 : memref<!tpu.dma_semaphore, #tpu.memory_space<semaphore_mem>>) src(%dma_wait3A_164 : memref<104000x8xf32, #tpu.memory_space<hbm>>) dst(%arg15 : memref<1000x8xf32, #tpu.memory_space<vmem>>)
      %dma_start3A_165 = arith.constant 0 : i32
      %dma_start3A_166 = arith.constant 0 : i32
      %dma_start3A_167 = tpu.memref_slice %arg18[%dma_start3A_165, %dma_start3A_166] : memref<104000x8xf32, #tpu.memory_space<vmem_shared>> -> memref<104000x8xf32, #tpu.memory_space<vmem_shared>>
      tpu.enqueue_indirect_dma source(%arg15 : memref<1000x8xf32, #tpu.memory_space<vmem>>) target(%dma_start3A_167 : memref<104000x8xf32, #tpu.memory_space<vmem_shared>>) offsets(%arg11 : memref<1000xi32, #tpu.memory_space<vmem>>) semaphore(%arg21 : memref<!tpu.dma_semaphore, #tpu.memory_space<semaphore_mem>>) {add = true}
      %dma_wait3A_168 = arith.constant 0 : i32
      %dma_wait3A_169 = arith.constant 0 : i32
      %dma_wait3A_170 = tpu.memref_slice %arg2[%dma_wait3A_168, %dma_wait3A_169] : memref<104000x8xf32, #tpu.memory_space<hbm>> -> memref<104000x8xf32, #tpu.memory_space<hbm>>
      tpu.wait_indirect_dma semaphore(%arg20 : memref<!tpu.dma_semaphore, #tpu.memory_space<semaphore_mem>>) src(%dma_wait3A_170 : memref<104000x8xf32, #tpu.memory_space<hbm>>) dst(%arg16 : memref<1000x8xf32, #tpu.memory_space<vmem>>)
      %dma_start3A_171 = arith.constant 0 : i32
      %dma_start3A_172 = arith.constant 0 : i32
      %dma_start3A_173 = tpu.memref_slice %arg18[%dma_start3A_171, %dma_start3A_172] : memref<104000x8xf32, #tpu.memory_space<vmem_shared>> -> memref<104000x8xf32, #tpu.memory_space<vmem_shared>>
      tpu.enqueue_indirect_dma source(%arg16 : memref<1000x8xf32, #tpu.memory_space<vmem>>) target(%dma_start3A_173 : memref<104000x8xf32, #tpu.memory_space<vmem_shared>>) offsets(%arg12 : memref<1000xi32, #tpu.memory_space<vmem>>) semaphore(%arg21 : memref<!tpu.dma_semaphore, #tpu.memory_space<semaphore_mem>>) {add = true}
      %dma_wait3A_174 = arith.constant 0 : i32
      %dma_wait3A_175 = arith.constant 0 : i32
      %dma_wait3A_176 = tpu.memref_slice %arg2[%dma_wait3A_174, %dma_wait3A_175] : memref<104000x8xf32, #tpu.memory_space<hbm>> -> memref<104000x8xf32, #tpu.memory_space<hbm>>
      tpu.wait_indirect_dma semaphore(%arg20 : memref<!tpu.dma_semaphore, #tpu.memory_space<semaphore_mem>>) src(%dma_wait3A_176 : memref<104000x8xf32, #tpu.memory_space<hbm>>) dst(%arg17 : memref<1000x8xf32, #tpu.memory_space<vmem>>)
      %dma_start3A_177 = arith.constant 0 : i32
      %dma_start3A_178 = arith.constant 0 : i32
      %dma_start3A_179 = tpu.memref_slice %arg18[%dma_start3A_177, %dma_start3A_178] : memref<104000x8xf32, #tpu.memory_space<vmem_shared>> -> memref<104000x8xf32, #tpu.memory_space<vmem_shared>>
      tpu.enqueue_indirect_dma source(%arg17 : memref<1000x8xf32, #tpu.memory_space<vmem>>) target(%dma_start3A_179 : memref<104000x8xf32, #tpu.memory_space<vmem_shared>>) offsets(%arg13 : memref<1000xi32, #tpu.memory_space<vmem>>) semaphore(%arg21 : memref<!tpu.dma_semaphore, #tpu.memory_space<semaphore_mem>>) {add = true}
    }
    %scan3A_9 = arith.constant 50 : i32
    %dma_wait3A = arith.constant 0 : i32
    %dma_wait3A_10 = arith.constant 0 : i32
    %dma_wait3A_11 = tpu.memref_slice %arg2[%dma_wait3A, %dma_wait3A_10] : memref<104000x8xf32, #tpu.memory_space<hbm>> -> memref<1000x8xf32, #tpu.memory_space<hbm>>
    %dma_wait3A_12 = arith.constant 0 : i32
    %dma_wait3A_13 = arith.constant 0 : i32
    %dma_wait3A_14 = tpu.memref_slice %arg2[%dma_wait3A_12, %dma_wait3A_13] : memref<104000x8xf32, #tpu.memory_space<hbm>> -> memref<1000x8xf32, #tpu.memory_space<hbm>>
    tpu.wait_dma2 semaphore(%arg21 : memref<!tpu.dma_semaphore, #tpu.memory_space<semaphore_mem>>) src(%dma_wait3A_14 : memref<1000x8xf32, #tpu.memory_space<hbm>>) dst(%arg14 : memref<1000x8xf32, #tpu.memory_space<vmem>>)
    %dma_wait3A_15 = arith.constant 0 : i32
    %dma_wait3A_16 = arith.constant 0 : i32
    %dma_wait3A_17 = tpu.memref_slice %arg2[%dma_wait3A_15, %dma_wait3A_16] : memref<104000x8xf32, #tpu.memory_space<hbm>> -> memref<1000x8xf32, #tpu.memory_space<hbm>>
    %dma_wait3A_18 = arith.constant 0 : i32
    %dma_wait3A_19 = arith.constant 0 : i32
    %dma_wait3A_20 = tpu.memref_slice %arg2[%dma_wait3A_18, %dma_wait3A_19] : memref<104000x8xf32, #tpu.memory_space<hbm>> -> memref<1000x8xf32, #tpu.memory_space<hbm>>
    tpu.wait_dma2 semaphore(%arg21 : memref<!tpu.dma_semaphore, #tpu.memory_space<semaphore_mem>>) src(%dma_wait3A_20 : memref<1000x8xf32, #tpu.memory_space<hbm>>) dst(%arg15 : memref<1000x8xf32, #tpu.memory_space<vmem>>)
    %dma_wait3A_21 = arith.constant 0 : i32
    %dma_wait3A_22 = arith.constant 0 : i32
    %dma_wait3A_23 = tpu.memref_slice %arg2[%dma_wait3A_21, %dma_wait3A_22] : memref<104000x8xf32, #tpu.memory_space<hbm>> -> memref<1000x8xf32, #tpu.memory_space<hbm>>
    %dma_wait3A_24 = arith.constant 0 : i32
    %dma_wait3A_25 = arith.constant 0 : i32
    %dma_wait3A_26 = tpu.memref_slice %arg2[%dma_wait3A_24, %dma_wait3A_25] : memref<104000x8xf32, #tpu.memory_space<hbm>> -> memref<1000x8xf32, #tpu.memory_space<hbm>>
    tpu.wait_dma2 semaphore(%arg21 : memref<!tpu.dma_semaphore, #tpu.memory_space<semaphore_mem>>) src(%dma_wait3A_26 : memref<1000x8xf32, #tpu.memory_space<hbm>>) dst(%arg16 : memref<1000x8xf32, #tpu.memory_space<vmem>>)
    %dma_wait3A_27 = arith.constant 0 : i32
    %dma_wait3A_28 = arith.constant 0 : i32
    %dma_wait3A_29 = tpu.memref_slice %arg2[%dma_wait3A_27, %dma_wait3A_28] : memref<104000x8xf32, #tpu.memory_space<hbm>> -> memref<1000x8xf32, #tpu.memory_space<hbm>>
    %dma_wait3A_30 = arith.constant 0 : i32
    %dma_wait3A_31 = arith.constant 0 : i32
    %dma_wait3A_32 = tpu.memref_slice %arg2[%dma_wait3A_30, %dma_wait3A_31] : memref<104000x8xf32, #tpu.memory_space<hbm>> -> memref<1000x8xf32, #tpu.memory_space<hbm>>
    tpu.wait_dma2 semaphore(%arg21 : memref<!tpu.dma_semaphore, #tpu.memory_space<semaphore_mem>>) src(%dma_wait3A_32 : memref<1000x8xf32, #tpu.memory_space<hbm>>) dst(%arg17 : memref<1000x8xf32, #tpu.memory_space<vmem>>)
    %barrier3A_33 = arith.constant 0 : index
    tpu.barrier barrier_id(%barrier3A_33)
    %mul3A_34 = arith.constant 6500 : i32
    %mul3A_35 = arith.muli %arg1, %mul3A_34 : i32
    %mul3A_36 = arith.constant 104000 : i32
    %mul3A_37 = arith.muli %arg0, %mul3A_36 : i32
    %mul3A_38 = arith.constant 6500 : i32
    %mul3A_39 = arith.muli %arg1, %mul3A_38 : i32
    %add3A_40 = arith.addi %mul3A_37, %mul3A_39 : i32
    "tpu.region"() ({
      %run_scoped3A = tpu.sem_alloc : memref<!tpu.dma_semaphore, #tpu.memory_space<semaphore_mem>>
      %dma_start3A = arith.constant 0 : i32
      %dma_start3A_41 = tpu.memref_slice %arg5[%add3A_40, %dma_start3A] : memref<208000x8xf32, #tpu.memory_space<hbm>> -> memref<6500x8xf32, #tpu.memory_space<hbm>>
      %dma_start3A_42 = arith.constant 0 : i32
      %dma_start3A_43 = tpu.memref_slice %arg18[%mul3A_35, %dma_start3A_42] : memref<104000x8xf32, #tpu.memory_space<vmem_shared>> -> memref<6500x8xf32, #tpu.memory_space<vmem_shared>>
      tpu.enqueue_dma source(%dma_start3A_43 : memref<6500x8xf32, #tpu.memory_space<vmem_shared>>) target(%dma_start3A_41 : memref<6500x8xf32, #tpu.memory_space<hbm>>) target_semaphore(%run_scoped3A : memref<!tpu.dma_semaphore, #tpu.memory_space<semaphore_mem>>)
      %dma_wait3A_44 = arith.constant 0 : i32
      %dma_wait3A_45 = tpu.memref_slice %arg5[%add3A_40, %dma_wait3A_44] : memref<208000x8xf32, #tpu.memory_space<hbm>> -> memref<6500x8xf32, #tpu.memory_space<hbm>>
      %dma_wait3A_46 = arith.constant 0 : i32
      %dma_wait3A_47 = tpu.memref_slice %arg18[%mul3A_35, %dma_wait3A_46] : memref<104000x8xf32, #tpu.memory_space<vmem_shared>> -> memref<6500x8xf32, #tpu.memory_space<vmem_shared>>
      tpu.wait_dma2 semaphore(%run_scoped3A : memref<!tpu.dma_semaphore, #tpu.memory_space<semaphore_mem>>) src(%dma_wait3A_47 : memref<6500x8xf32, #tpu.memory_space<vmem_shared>>) dst(%dma_wait3A_45 : memref<6500x8xf32, #tpu.memory_space<hbm>>)
      tpu.yield
    }) : () -> ()
    return
  }
}

module attributes {stable_mosaic.version = 14 : i64} {
  func.func @_t1_body(%arg0: i32, %arg1: memref<1x1xf32, #tpu.memory_space<smem>>, %arg2: memref<4000x4xf32, #tpu.memory_space<vmem>>, %arg3: memref<4000x8xf32, #tpu.memory_space<vmem>>, %arg4: memref<4000x8xf32, #tpu.memory_space<vmem>>, %arg5: memref<4x128xf32, #tpu.memory_space<vmem>>, %arg6: memref<1x128xf32, #tpu.memory_space<vmem>>, %arg7: memref<4000x4xf32, #tpu.memory_space<vmem>>, %arg8: memref<2x128xf32, #tpu.memory_space<vmem>>) attributes {dimension_semantics = [#tpu.dimension_semantics<arbitrary>], iteration_bounds = array<i64: 25>, scalar_prefetch = 0 : i64, scratch_operands = 0 : i64, tpu.core_type = #tpu.core_type<tc>, window_params = [{transform_indices = @transform_0, window_bounds = array<i64: 1, 1>}, {transform_indices = @transform_1, window_bounds = array<i64: 4000, 4>}, {transform_indices = @transform_2, window_bounds = array<i64: 4000, 8>}, {transform_indices = @transform_3, window_bounds = array<i64: 4000, 8>}, {pipeline_mode = #tpu.pipeline_mode<synchronous>, transform_indices = @transform_4, window_bounds = array<i64: 4, 128>}, {pipeline_mode = #tpu.pipeline_mode<synchronous>, transform_indices = @transform_5, window_bounds = array<i64: 1, 128>}, {transform_indices = @transform_6, window_bounds = array<i64: 4000, 4>}, {pipeline_mode = #tpu.pipeline_mode<synchronous>, transform_indices = @transform_7, window_bounds = array<i64: 2, 128>}]} {
    %get3A = arith.constant 0 : index
    %get3A_0 = arith.constant 0 : index
    %get3A_1 = vector.load %arg2[%get3A, %get3A_0] : memref<4000x4xf32, #tpu.memory_space<vmem>>, vector<4000x4xf32>
    %get3A_2 = arith.constant 0 : index
    %get3A_3 = arith.constant 0 : index
    %get3A_4 = memref.load %arg1[%get3A_2, %get3A_3] : memref<1x1xf32, #tpu.memory_space<smem>>
    %mul3A = vector.broadcast %get3A_4 : f32 to vector<4000x4xf32>
    %mul3A_5 = arith.mulf %get3A_1, %mul3A : vector<4000x4xf32>
    %get3A_6 = arith.constant 0 : index
    %get3A_7 = arith.constant 0 : index
    %get3A_8 = vector.load %arg3[%get3A_6, %get3A_7] : memref<4000x8xf32, #tpu.memory_space<vmem>>, vector<4000x4xf32>
    %add3A = arith.addf %mul3A_5, %get3A_8 : vector<4000x4xf32>
    %get3A_9 = arith.constant 0 : index
    %get3A_10 = arith.constant 0 : index
    %get3A_11 = vector.load %arg4[%get3A_9, %get3A_10] : memref<4000x8xf32, #tpu.memory_space<vmem>>, vector<4000x4xf32>
    %add3A_12 = arith.addf %add3A, %get3A_11 : vector<4000x4xf32>
    %swap3A = arith.constant 0 : index
    %swap3A_13 = arith.constant 0 : index
    %swap3A_14 = vector.load %arg7[%swap3A, %swap3A_13] : memref<4000x4xf32, #tpu.memory_space<vmem>>, vector<4000x4xf32>
    tpu.vector_store %arg7[%swap3A, %swap3A_13], %add3A_12 {strides = array<i32>} : memref<4000x4xf32, #tpu.memory_space<vmem>>, vector<4000x4xf32>,
    %get3A_15 = arith.constant 0 : index
    %get3A_16 = arith.constant 0 : index
    %get3A_17 = vector.load %arg6[%get3A_15, %get3A_16] : memref<1x128xf32, #tpu.memory_space<vmem>>, vector<1x128xf32>
    %slice3A = vector.extract_strided_slice %add3A_12 {offsets = [0, 0], sizes = [4000, 1], strides = [1, 1]} : vector<4000x4xf32> to vector<4000x1xf32>
    %get3A_18 = arith.constant 0 : index
    %get3A_19 = arith.constant 0 : index
    %get3A_20 = vector.load %arg5[%get3A_18, %get3A_19] : memref<4x128xf32, #tpu.memory_space<vmem>>, vector<1x128xf32>
    %mul3A_21 = vector.broadcast %slice3A : vector<4000x1xf32> to vector<4000x128xf32>
    %mul3A_22 = vector.broadcast %get3A_20 : vector<1x128xf32> to vector<4000x128xf32>
    %mul3A_23 = arith.mulf %mul3A_21, %mul3A_22 : vector<4000x128xf32>
    %add3A_24 = vector.broadcast %get3A_17 : vector<1x128xf32> to vector<4000x128xf32>
    %add3A_25 = arith.addf %add3A_24, %mul3A_23 : vector<4000x128xf32>
    %slice3A_26 = vector.extract_strided_slice %add3A_12 {offsets = [0, 1], sizes = [4000, 1], strides = [1, 1]} : vector<4000x4xf32> to vector<4000x1xf32>
    %get3A_27 = arith.constant 1 : index
    %get3A_28 = arith.constant 0 : index
    %get3A_29 = vector.load %arg5[%get3A_27, %get3A_28] : memref<4x128xf32, #tpu.memory_space<vmem>>, vector<1x128xf32>
    %mul3A_30 = vector.broadcast %slice3A_26 : vector<4000x1xf32> to vector<4000x128xf32>
    %mul3A_31 = vector.broadcast %get3A_29 : vector<1x128xf32> to vector<4000x128xf32>
    %mul3A_32 = arith.mulf %mul3A_30, %mul3A_31 : vector<4000x128xf32>
    %add3A_33 = arith.addf %add3A_25, %mul3A_32 : vector<4000x128xf32>
    %slice3A_34 = vector.extract_strided_slice %add3A_12 {offsets = [0, 2], sizes = [4000, 1], strides = [1, 1]} : vector<4000x4xf32> to vector<4000x1xf32>
    %get3A_35 = arith.constant 2 : index
    %get3A_36 = arith.constant 0 : index
    %get3A_37 = vector.load %arg5[%get3A_35, %get3A_36] : memref<4x128xf32, #tpu.memory_space<vmem>>, vector<1x128xf32>
    %mul3A_38 = vector.broadcast %slice3A_34 : vector<4000x1xf32> to vector<4000x128xf32>
    %mul3A_39 = vector.broadcast %get3A_37 : vector<1x128xf32> to vector<4000x128xf32>
    %mul3A_40 = arith.mulf %mul3A_38, %mul3A_39 : vector<4000x128xf32>
    %add3A_41 = arith.addf %add3A_33, %mul3A_40 : vector<4000x128xf32>
    %slice3A_42 = vector.extract_strided_slice %add3A_12 {offsets = [0, 3], sizes = [4000, 1], strides = [1, 1]} : vector<4000x4xf32> to vector<4000x1xf32>
    %get3A_43 = arith.constant 3 : index
    %get3A_44 = arith.constant 0 : index
    %get3A_45 = vector.load %arg5[%get3A_43, %get3A_44] : memref<4x128xf32, #tpu.memory_space<vmem>>, vector<1x128xf32>
    %mul3A_46 = vector.broadcast %slice3A_42 : vector<4000x1xf32> to vector<4000x128xf32>
    %mul3A_47 = vector.broadcast %get3A_45 : vector<1x128xf32> to vector<4000x128xf32>
    %mul3A_48 = arith.mulf %mul3A_46, %mul3A_47 : vector<4000x128xf32>
    %add3A_49 = arith.addf %add3A_41, %mul3A_48 : vector<4000x128xf32>
    %eq3A = arith.constant 0 : i32
    %eq3A_50 = arith.cmpi eq, %arg0, %eq3A : i32
    %convert_element_type3A = arith.extui %eq3A_50 : i1 to i32
    %cond3A = arith.constant 0 : i32
    %cond3A_51 = arith.cmpi ne, %convert_element_type3A, %cond3A : i32
    scf.if %cond3A_51 {
      %broadcast_in_dim3A_71 = arith.constant 0.000000e+00 : f32
      %broadcast_in_dim3A_72 = vector.broadcast %broadcast_in_dim3A_71 : f32 to vector<2x128xf32>
      %swap3A_73 = arith.constant 0 : index
      %swap3A_74 = arith.constant 0 : index
      %swap3A_75 = vector.load %arg8[%swap3A_73, %swap3A_74] : memref<2x128xf32, #tpu.memory_space<vmem>>, vector<2x128xf32>
      tpu.vector_store %arg8[%swap3A_73, %swap3A_74], %broadcast_in_dim3A_72 {strides = array<i32>} : memref<2x128xf32, #tpu.memory_space<vmem>>, vector<2x128xf32>,
    } else {
    }
    %get3A_52 = arith.constant 0 : index
    %get3A_53 = arith.constant 0 : index
    %get3A_54 = vector.load %arg8[%get3A_52, %get3A_53] : memref<2x128xf32, #tpu.memory_space<vmem>>, vector<1x128xf32>
    %reduce_sum3A = arith.constant dense<0.000000e+00> : vector<128xf32>
    %reduce_sum3A_55 = vector.multi_reduction <add>, %add3A_49, %reduce_sum3A [0] : vector<4000x128xf32> to vector<128xf32>
    %broadcast_in_dim3A = vector.shape_cast %reduce_sum3A_55 : vector<128xf32> to vector<1x128xf32>
    %add3A_56 = arith.addf %get3A_54, %broadcast_in_dim3A : vector<1x128xf32>
    %swap3A_57 = arith.constant 0 : index
    %swap3A_58 = arith.constant 0 : index
    %swap3A_59 = vector.load %arg8[%swap3A_57, %swap3A_58] : memref<2x128xf32, #tpu.memory_space<vmem>>, vector<1x128xf32>
    tpu.vector_store %arg8[%swap3A_57, %swap3A_58], %add3A_56 {strides = array<i32>} : memref<2x128xf32, #tpu.memory_space<vmem>>, vector<1x128xf32>,
    %get3A_60 = arith.constant 1 : index
    %get3A_61 = arith.constant 0 : index
    %get3A_62 = vector.load %arg8[%get3A_60, %get3A_61] : memref<2x128xf32, #tpu.memory_space<vmem>>, vector<1x128xf32>
    %mul3A_63 = arith.mulf %add3A_49, %add3A_49 : vector<4000x128xf32>
    %reduce_sum3A_64 = arith.constant dense<0.000000e+00> : vector<128xf32>
    %reduce_sum3A_65 = vector.multi_reduction <add>, %mul3A_63, %reduce_sum3A_64 [0] : vector<4000x128xf32> to vector<128xf32>
    %broadcast_in_dim3A_66 = vector.shape_cast %reduce_sum3A_65 : vector<128xf32> to vector<1x128xf32>
    %add3A_67 = arith.addf %get3A_62, %broadcast_in_dim3A_66 : vector<1x128xf32>
    %swap3A_68 = arith.constant 1 : index
    %swap3A_69 = arith.constant 0 : index
    %swap3A_70 = vector.load %arg8[%swap3A_68, %swap3A_69] : memref<2x128xf32, #tpu.memory_space<vmem>>, vector<1x128xf32>
    tpu.vector_store %arg8[%swap3A_68, %swap3A_69], %add3A_67 {strides = array<i32>} : memref<2x128xf32, #tpu.memory_space<vmem>>, vector<1x128xf32>,
    return
  }
  func.func @transform_0(%arg0: i32) -> (i32, i32) {
    %c0_i32 = arith.constant 0 : i32
    %c0_i32_0 = arith.constant 0 : i32
    %c0_i32_1 = arith.constant 0 : i32
    return %c0_i32, %c0_i32_0 : i32, i32
  }
  func.func @transform_1(%arg0: i32) -> (i32, i32) {
    %c0_i32 = arith.constant 0 : i32
    %c0_i32_0 = arith.constant 0 : i32
    return %arg0, %c0_i32 : i32, i32
  }
  func.func @transform_2(%arg0: i32) -> (i32, i32) {
    %c0_i32 = arith.constant 0 : i32
    %c0_i32_0 = arith.constant 0 : i32
    return %arg0, %c0_i32 : i32, i32
  }
  func.func @transform_3(%arg0: i32) -> (i32, i32) {
    %add3A = arith.constant 26 : i32
    %add3A_0 = arith.addi %arg0, %add3A : i32
    %c0_i32 = arith.constant 0 : i32
    %c0_i32_1 = arith.constant 0 : i32
    return %add3A_0, %c0_i32 : i32, i32
  }
  func.func @transform_4(%arg0: i32) -> (i32, i32) {
    %c0_i32 = arith.constant 0 : i32
    %c0_i32_0 = arith.constant 0 : i32
    %c0_i32_1 = arith.constant 0 : i32
    return %c0_i32, %c0_i32_0 : i32, i32
  }
  func.func @transform_5(%arg0: i32) -> (i32, i32) {
    %c0_i32 = arith.constant 0 : i32
    %c0_i32_0 = arith.constant 0 : i32
    %c0_i32_1 = arith.constant 0 : i32
    return %c0_i32, %c0_i32_0 : i32, i32
  }
  func.func @transform_6(%arg0: i32) -> (i32, i32) {
    %c0_i32 = arith.constant 0 : i32
    %c0_i32_0 = arith.constant 0 : i32
    return %arg0, %c0_i32 : i32, i32
  }
  func.func @transform_7(%arg0: i32) -> (i32, i32) {
    %c0_i32 = arith.constant 0 : i32
    %c0_i32_0 = arith.constant 0 : i32
    %c0_i32_1 = arith.constant 0 : i32
    return %c0_i32, %c0_i32_0 : i32, i32
  }
}

module attributes {stable_mosaic.version = 14 : i64} {
  func.func @_t2_body(%arg0: i32, %arg1: memref<4000x4xf32, #tpu.memory_space<vmem>>, %arg2: memref<2x128xf32, #tpu.memory_space<vmem>>, %arg3: memref<4x128xf32, #tpu.memory_space<vmem>>, %arg4: memref<1x128xf32, #tpu.memory_space<vmem>>, %arg5: memref<1x128xf32, #tpu.memory_space<vmem>>, %arg6: memref<1x128xf32, #tpu.memory_space<vmem>>, %arg7: memref<128x64xf32, #tpu.memory_space<vmem>>, %arg8: memref<1x64xf32, #tpu.memory_space<vmem>>, %arg9: memref<2x64xf32, #tpu.memory_space<vmem>>) attributes {dimension_semantics = [#tpu.dimension_semantics<arbitrary>], iteration_bounds = array<i64: 25>, scalar_prefetch = 0 : i64, scratch_operands = 0 : i64, tpu.core_type = #tpu.core_type<tc>, window_params = [{transform_indices = @transform_0, window_bounds = array<i64: 4000, 4>}, {pipeline_mode = #tpu.pipeline_mode<synchronous>, transform_indices = @transform_1, window_bounds = array<i64: 2, 128>}, {pipeline_mode = #tpu.pipeline_mode<synchronous>, transform_indices = @transform_2, window_bounds = array<i64: 4, 128>}, {pipeline_mode = #tpu.pipeline_mode<synchronous>, transform_indices = @transform_3, window_bounds = array<i64: 1, 128>}, {pipeline_mode = #tpu.pipeline_mode<synchronous>, transform_indices = @transform_4, window_bounds = array<i64: 1, 128>}, {pipeline_mode = #tpu.pipeline_mode<synchronous>, transform_indices = @transform_5, window_bounds = array<i64: 1, 128>}, {pipeline_mode = #tpu.pipeline_mode<synchronous>, transform_indices = @transform_6, window_bounds = array<i64: 128, 64>}, {pipeline_mode = #tpu.pipeline_mode<synchronous>, transform_indices = @transform_7, window_bounds = array<i64: 1, 64>}, {pipeline_mode = #tpu.pipeline_mode<synchronous>, transform_indices = @transform_8, window_bounds = array<i64: 2, 64>}]} {
    %get3A = arith.constant 0 : index
    %get3A_0 = arith.constant 0 : index
    %get3A_1 = vector.load %arg5[%get3A, %get3A_0] : memref<1x128xf32, #tpu.memory_space<vmem>>, vector<1x128xf32>
    %get3A_2 = arith.constant 0 : index
    %get3A_3 = arith.constant 0 : index
    %get3A_4 = vector.load %arg6[%get3A_2, %get3A_3] : memref<1x128xf32, #tpu.memory_space<vmem>>, vector<1x128xf32>
    %get3A_5 = arith.constant 0 : index
    %get3A_6 = arith.constant 0 : index
    %get3A_7 = vector.load %arg2[%get3A_5, %get3A_6] : memref<2x128xf32, #tpu.memory_space<vmem>>, vector<1x128xf32>
    %mul3A = arith.constant 9.99999974E-6 : f32
    %mul3A_8 = vector.broadcast %mul3A : f32 to vector<1x128xf32>
    %mul3A_9 = arith.mulf %get3A_7, %mul3A_8 : vector<1x128xf32>
    %get3A_10 = arith.constant 1 : index
    %get3A_11 = arith.constant 0 : index
    %get3A_12 = vector.load %arg2[%get3A_10, %get3A_11] : memref<2x128xf32, #tpu.memory_space<vmem>>, vector<1x128xf32>
    %mul3A_13 = arith.constant 9.99999974E-6 : f32
    %mul3A_14 = vector.broadcast %mul3A_13 : f32 to vector<1x128xf32>
    %mul3A_15 = arith.mulf %get3A_12, %mul3A_14 : vector<1x128xf32>
    %mul3A_16 = arith.mulf %mul3A_9, %mul3A_9 : vector<1x128xf32>
    %sub3A = arith.subf %mul3A_15, %mul3A_16 : vector<1x128xf32>
    %add3A = arith.constant 9.99999974E-6 : f32
    %add3A_17 = vector.broadcast %add3A : f32 to vector<1x128xf32>
    %add3A_18 = arith.addf %sub3A, %add3A_17 : vector<1x128xf32>
    %rsqrt3A = math.rsqrt %add3A_18 : vector<1x128xf32>
    %mul3A_19 = arith.mulf %get3A_1, %rsqrt3A : vector<1x128xf32>
    %mul3A_20 = arith.mulf %mul3A_9, %mul3A_19 : vector<1x128xf32>
    %sub3A_21 = arith.subf %get3A_4, %mul3A_20 : vector<1x128xf32>
    %get3A_22 = arith.constant 0 : index
    %get3A_23 = arith.constant 0 : index
    %get3A_24 = vector.load %arg1[%get3A_22, %get3A_23] : memref<4000x4xf32, #tpu.memory_space<vmem>>, vector<4000x4xf32>
    %get3A_25 = arith.constant 0 : index
    %get3A_26 = arith.constant 0 : index
    %get3A_27 = vector.load %arg4[%get3A_25, %get3A_26] : memref<1x128xf32, #tpu.memory_space<vmem>>, vector<1x128xf32>
    %slice3A = vector.extract_strided_slice %get3A_24 {offsets = [0, 0], sizes = [4000, 1], strides = [1, 1]} : vector<4000x4xf32> to vector<4000x1xf32>
    %get3A_28 = arith.constant 0 : index
    %get3A_29 = arith.constant 0 : index
    %get3A_30 = vector.load %arg3[%get3A_28, %get3A_29] : memref<4x128xf32, #tpu.memory_space<vmem>>, vector<1x128xf32>
    %mul3A_31 = vector.broadcast %slice3A : vector<4000x1xf32> to vector<4000x128xf32>
    %mul3A_32 = vector.broadcast %get3A_30 : vector<1x128xf32> to vector<4000x128xf32>
    %mul3A_33 = arith.mulf %mul3A_31, %mul3A_32 : vector<4000x128xf32>
    %add3A_34 = vector.broadcast %get3A_27 : vector<1x128xf32> to vector<4000x128xf32>
    %add3A_35 = arith.addf %add3A_34, %mul3A_33 : vector<4000x128xf32>
    %slice3A_36 = vector.extract_strided_slice %get3A_24 {offsets = [0, 1], sizes = [4000, 1], strides = [1, 1]} : vector<4000x4xf32> to vector<4000x1xf32>
    %get3A_37 = arith.constant 1 : index
    %get3A_38 = arith.constant 0 : index
    %get3A_39 = vector.load %arg3[%get3A_37, %get3A_38] : memref<4x128xf32, #tpu.memory_space<vmem>>, vector<1x128xf32>
    %mul3A_40 = vector.broadcast %slice3A_36 : vector<4000x1xf32> to vector<4000x128xf32>
    %mul3A_41 = vector.broadcast %get3A_39 : vector<1x128xf32> to vector<4000x128xf32>
    %mul3A_42 = arith.mulf %mul3A_40, %mul3A_41 : vector<4000x128xf32>
    %add3A_43 = arith.addf %add3A_35, %mul3A_42 : vector<4000x128xf32>
    %slice3A_44 = vector.extract_strided_slice %get3A_24 {offsets = [0, 2], sizes = [4000, 1], strides = [1, 1]} : vector<4000x4xf32> to vector<4000x1xf32>
    %get3A_45 = arith.constant 2 : index
    %get3A_46 = arith.constant 0 : index
    %get3A_47 = vector.load %arg3[%get3A_45, %get3A_46] : memref<4x128xf32, #tpu.memory_space<vmem>>, vector<1x128xf32>
    %mul3A_48 = vector.broadcast %slice3A_44 : vector<4000x1xf32> to vector<4000x128xf32>
    %mul3A_49 = vector.broadcast %get3A_47 : vector<1x128xf32> to vector<4000x128xf32>
    %mul3A_50 = arith.mulf %mul3A_48, %mul3A_49 : vector<4000x128xf32>
    %add3A_51 = arith.addf %add3A_43, %mul3A_50 : vector<4000x128xf32>
    %slice3A_52 = vector.extract_strided_slice %get3A_24 {offsets = [0, 3], sizes = [4000, 1], strides = [1, 1]} : vector<4000x4xf32> to vector<4000x1xf32>
    %get3A_53 = arith.constant 3 : index
    %get3A_54 = arith.constant 0 : index
    %get3A_55 = vector.load %arg3[%get3A_53, %get3A_54] : memref<4x128xf32, #tpu.memory_space<vmem>>, vector<1x128xf32>
    %mul3A_56 = vector.broadcast %slice3A_52 : vector<4000x1xf32> to vector<4000x128xf32>
    %mul3A_57 = vector.broadcast %get3A_55 : vector<1x128xf32> to vector<4000x128xf32>
    %mul3A_58 = arith.mulf %mul3A_56, %mul3A_57 : vector<4000x128xf32>
    %add3A_59 = arith.addf %add3A_51, %mul3A_58 : vector<4000x128xf32>
    %mul3A_60 = vector.broadcast %mul3A_19 : vector<1x128xf32> to vector<4000x128xf32>
    %mul3A_61 = arith.mulf %add3A_59, %mul3A_60 : vector<4000x128xf32>
    %add3A_62 = vector.broadcast %sub3A_21 : vector<1x128xf32> to vector<4000x128xf32>
    %add3A_63 = arith.addf %mul3A_61, %add3A_62 : vector<4000x128xf32>
    %max3A = arith.constant 0.000000e+00 : f32
    %max3A_64 = vector.broadcast %max3A : f32 to vector<4000x128xf32>
    %max3A_65 = arith.maximumf %add3A_63, %max3A_64 : vector<4000x128xf32>
    %get3A_66 = arith.constant 0 : index
    %get3A_67 = arith.constant 0 : index
    %get3A_68 = vector.load %arg7[%get3A_66, %get3A_67] : memref<128x64xf32, #tpu.memory_space<vmem>>, vector<128x64xf32>
    %dot_general3A = arith.constant dense<0.000000e+00> : vector<4000x64xf32>
    %dot_general3A_69 = tpu.matmul %max3A_65, %get3A_68, %dot_general3A {dimension_numbers = #tpu.dot_dimension_numbers<[1], [0], [0], [1], [0, 0, 1, 1], [], []>, precision = #tpu.contract_precision<fp32>, transpose_lhs_hint = false} : vector<4000x128xf32>, vector<128x64xf32>, vector<4000x64xf32> -> vector<4000x64xf32>
    %get3A_70 = arith.constant 0 : index
    %get3A_71 = arith.constant 0 : index
    %get3A_72 = vector.load %arg8[%get3A_70, %get3A_71] : memref<1x64xf32, #tpu.memory_space<vmem>>, vector<1x64xf32>
    %add3A_73 = vector.broadcast %get3A_72 : vector<1x64xf32> to vector<4000x64xf32>
    %add3A_74 = arith.addf %dot_general3A_69, %add3A_73 : vector<4000x64xf32>
    %eq3A = arith.constant 0 : i32
    %eq3A_75 = arith.cmpi eq, %arg0, %eq3A : i32
    %convert_element_type3A = arith.extui %eq3A_75 : i1 to i32
    %cond3A = arith.constant 0 : i32
    %cond3A_76 = arith.cmpi ne, %convert_element_type3A, %cond3A : i32
    scf.if %cond3A_76 {
      %broadcast_in_dim3A_95 = arith.constant 0.000000e+00 : f32
      %broadcast_in_dim3A_96 = vector.broadcast %broadcast_in_dim3A_95 : f32 to vector<2x64xf32>
      %swap3A_97 = arith.constant 0 : index
      %swap3A_98 = arith.constant 0 : index
      %swap3A_99 = vector.load %arg9[%swap3A_97, %swap3A_98] : memref<2x64xf32, #tpu.memory_space<vmem>>, vector<2x64xf32>
      tpu.vector_store %arg9[%swap3A_97, %swap3A_98], %broadcast_in_dim3A_96 {strides = array<i32>} : memref<2x64xf32, #tpu.memory_space<vmem>>, vector<2x64xf32>,
    } else {
    }
    %get3A_77 = arith.constant 0 : index
    %get3A_78 = arith.constant 0 : index
    %get3A_79 = vector.load %arg9[%get3A_77, %get3A_78] : memref<2x64xf32, #tpu.memory_space<vmem>>, vector<1x64xf32>
    %reduce_sum3A = arith.constant dense<0.000000e+00> : vector<64xf32>
    %reduce_sum3A_80 = vector.multi_reduction <add>, %add3A_74, %reduce_sum3A [0] : vector<4000x64xf32> to vector<64xf32>
    %broadcast_in_dim3A = vector.shape_cast %reduce_sum3A_80 : vector<64xf32> to vector<1x64xf32>
    %add3A_81 = arith.addf %get3A_79, %broadcast_in_dim3A : vector<1x64xf32>
    %swap3A = arith.constant 0 : index
    %swap3A_82 = arith.constant 0 : index
    %swap3A_83 = vector.load %arg9[%swap3A, %swap3A_82] : memref<2x64xf32, #tpu.memory_space<vmem>>, vector<1x64xf32>
    tpu.vector_store %arg9[%swap3A, %swap3A_82], %add3A_81 {strides = array<i32>} : memref<2x64xf32, #tpu.memory_space<vmem>>, vector<1x64xf32>,
    %get3A_84 = arith.constant 1 : index
    %get3A_85 = arith.constant 0 : index
    %get3A_86 = vector.load %arg9[%get3A_84, %get3A_85] : memref<2x64xf32, #tpu.memory_space<vmem>>, vector<1x64xf32>
    %mul3A_87 = arith.mulf %add3A_74, %add3A_74 : vector<4000x64xf32>
    %reduce_sum3A_88 = arith.constant dense<0.000000e+00> : vector<64xf32>
    %reduce_sum3A_89 = vector.multi_reduction <add>, %mul3A_87, %reduce_sum3A_88 [0] : vector<4000x64xf32> to vector<64xf32>
    %broadcast_in_dim3A_90 = vector.shape_cast %reduce_sum3A_89 : vector<64xf32> to vector<1x64xf32>
    %add3A_91 = arith.addf %get3A_86, %broadcast_in_dim3A_90 : vector<1x64xf32>
    %swap3A_92 = arith.constant 1 : index
    %swap3A_93 = arith.constant 0 : index
    %swap3A_94 = vector.load %arg9[%swap3A_92, %swap3A_93] : memref<2x64xf32, #tpu.memory_space<vmem>>, vector<1x64xf32>
    tpu.vector_store %arg9[%swap3A_92, %swap3A_93], %add3A_91 {strides = array<i32>} : memref<2x64xf32, #tpu.memory_space<vmem>>, vector<1x64xf32>,
    return
  }
  func.func @transform_0(%arg0: i32) -> (i32, i32) {
    %c0_i32 = arith.constant 0 : i32
    %c0_i32_0 = arith.constant 0 : i32
    return %arg0, %c0_i32 : i32, i32
  }
  func.func @transform_1(%arg0: i32) -> (i32, i32) {
    %c0_i32 = arith.constant 0 : i32
    %c0_i32_0 = arith.constant 0 : i32
    %c0_i32_1 = arith.constant 0 : i32
    return %c0_i32, %c0_i32_0 : i32, i32
  }
  func.func @transform_2(%arg0: i32) -> (i32, i32) {
    %c0_i32 = arith.constant 0 : i32
    %c0_i32_0 = arith.constant 0 : i32
    %c0_i32_1 = arith.constant 0 : i32
    return %c0_i32, %c0_i32_0 : i32, i32
  }
  func.func @transform_3(%arg0: i32) -> (i32, i32) {
    %c0_i32 = arith.constant 0 : i32
    %c0_i32_0 = arith.constant 0 : i32
    %c0_i32_1 = arith.constant 0 : i32
    return %c0_i32, %c0_i32_0 : i32, i32
  }
  func.func @transform_4(%arg0: i32) -> (i32, i32) {
    %c0_i32 = arith.constant 0 : i32
    %c0_i32_0 = arith.constant 0 : i32
    %c0_i32_1 = arith.constant 0 : i32
    return %c0_i32, %c0_i32_0 : i32, i32
  }
  func.func @transform_5(%arg0: i32) -> (i32, i32) {
    %c0_i32 = arith.constant 0 : i32
    %c0_i32_0 = arith.constant 0 : i32
    %c0_i32_1 = arith.constant 0 : i32
    return %c0_i32, %c0_i32_0 : i32, i32
  }
  func.func @transform_6(%arg0: i32) -> (i32, i32) {
    %c0_i32 = arith.constant 0 : i32
    %c0_i32_0 = arith.constant 0 : i32
    %c0_i32_1 = arith.constant 0 : i32
    return %c0_i32, %c0_i32_0 : i32, i32
  }
  func.func @transform_7(%arg0: i32) -> (i32, i32) {
    %c0_i32 = arith.constant 0 : i32
    %c0_i32_0 = arith.constant 0 : i32
    %c0_i32_1 = arith.constant 0 : i32
    return %c0_i32, %c0_i32_0 : i32, i32
  }
  func.func @transform_8(%arg0: i32) -> (i32, i32) {
    %c0_i32 = arith.constant 0 : i32
    %c0_i32_0 = arith.constant 0 : i32
    %c0_i32_1 = arith.constant 0 : i32
    return %c0_i32, %c0_i32_0 : i32, i32
  }
}

module attributes {stable_mosaic.version = 14 : i64} {
  func.func @_t3_body(%arg0: i32, %arg1: memref<4000x4xf32, #tpu.memory_space<vmem>>, %arg2: memref<1x1x4000xi32, #tpu.memory_space<vmem>>, %arg3: memref<2x128xf32, #tpu.memory_space<vmem>>, %arg4: memref<2x64xf32, #tpu.memory_space<vmem>>, %arg5: memref<4x128xf32, #tpu.memory_space<vmem>>, %arg6: memref<1x128xf32, #tpu.memory_space<vmem>>, %arg7: memref<1x128xf32, #tpu.memory_space<vmem>>, %arg8: memref<1x128xf32, #tpu.memory_space<vmem>>, %arg9: memref<128x64xf32, #tpu.memory_space<vmem>>, %arg10: memref<1x64xf32, #tpu.memory_space<vmem>>, %arg11: memref<1x64xf32, #tpu.memory_space<vmem>>, %arg12: memref<1x64xf32, #tpu.memory_space<vmem>>, %arg13: memref<64x2xf32, #tpu.memory_space<vmem>>, %arg14: memref<1x2xf32, #tpu.memory_space<vmem>>, %arg15: memref<1024x2xf32, #tpu.memory_space<vmem>>, %arg16: memref<1024x65xf32, #tpu.memory_space<vmem>>) attributes {dimension_semantics = [#tpu.dimension_semantics<arbitrary>], iteration_bounds = array<i64: 25>, scalar_prefetch = 0 : i64, scratch_operands = 1 : i64, tpu.core_type = #tpu.core_type<tc>, window_params = [{transform_indices = @transform_0, window_bounds = array<i64: 4000, 4>}, {transform_indices = @transform_1, window_bounds = array<i64: 1, 1, 4000>}, {pipeline_mode = #tpu.pipeline_mode<synchronous>, transform_indices = @transform_2, window_bounds = array<i64: 2, 128>}, {pipeline_mode = #tpu.pipeline_mode<synchronous>, transform_indices = @transform_3, window_bounds = array<i64: 2, 64>}, {pipeline_mode = #tpu.pipeline_mode<synchronous>, transform_indices = @transform_4, window_bounds = array<i64: 4, 128>}, {pipeline_mode = #tpu.pipeline_mode<synchronous>, transform_indices = @transform_5, window_bounds = array<i64: 1, 128>}, {pipeline_mode = #tpu.pipeline_mode<synchronous>, transform_indices = @transform_6, window_bounds = array<i64: 1, 128>}, {pipeline_mode = #tpu.pipeline_mode<synchronous>, transform_indices = @transform_7, window_bounds = array<i64: 1, 128>}, {pipeline_mode = #tpu.pipeline_mode<synchronous>, transform_indices = @transform_8, window_bounds = array<i64: 128, 64>}, {pipeline_mode = #tpu.pipeline_mode<synchronous>, transform_indices = @transform_9, window_bounds = array<i64: 1, 64>}, {pipeline_mode = #tpu.pipeline_mode<synchronous>, transform_indices = @transform_10, window_bounds = array<i64: 1, 64>}, {pipeline_mode = #tpu.pipeline_mode<synchronous>, transform_indices = @transform_11, window_bounds = array<i64: 1, 64>}, {pipeline_mode = #tpu.pipeline_mode<synchronous>, transform_indices = @transform_12, window_bounds = array<i64: 64, 2>}, {pipeline_mode = #tpu.pipeline_mode<synchronous>, transform_indices = @transform_13, window_bounds = array<i64: 1, 2>}, {pipeline_mode = #tpu.pipeline_mode<synchronous>, transform_indices = @transform_14, window_bounds = array<i64: 1024, 2>}]} {
    %get3A = arith.constant 0 : index
    %get3A_0 = arith.constant 0 : index
    %get3A_1 = vector.load %arg7[%get3A, %get3A_0] : memref<1x128xf32, #tpu.memory_space<vmem>>, vector<1x128xf32>
    %get3A_2 = arith.constant 0 : index
    %get3A_3 = arith.constant 0 : index
    %get3A_4 = vector.load %arg8[%get3A_2, %get3A_3] : memref<1x128xf32, #tpu.memory_space<vmem>>, vector<1x128xf32>
    %get3A_5 = arith.constant 0 : index
    %get3A_6 = arith.constant 0 : index
    %get3A_7 = vector.load %arg3[%get3A_5, %get3A_6] : memref<2x128xf32, #tpu.memory_space<vmem>>, vector<1x128xf32>
    %mul3A = arith.constant 9.99999974E-6 : f32
    %mul3A_8 = vector.broadcast %mul3A : f32 to vector<1x128xf32>
    %mul3A_9 = arith.mulf %get3A_7, %mul3A_8 : vector<1x128xf32>
    %get3A_10 = arith.constant 1 : index
    %get3A_11 = arith.constant 0 : index
    %get3A_12 = vector.load %arg3[%get3A_10, %get3A_11] : memref<2x128xf32, #tpu.memory_space<vmem>>, vector<1x128xf32>
    %mul3A_13 = arith.constant 9.99999974E-6 : f32
    %mul3A_14 = vector.broadcast %mul3A_13 : f32 to vector<1x128xf32>
    %mul3A_15 = arith.mulf %get3A_12, %mul3A_14 : vector<1x128xf32>
    %mul3A_16 = arith.mulf %mul3A_9, %mul3A_9 : vector<1x128xf32>
    %sub3A = arith.subf %mul3A_15, %mul3A_16 : vector<1x128xf32>
    %add3A = arith.constant 9.99999974E-6 : f32
    %add3A_17 = vector.broadcast %add3A : f32 to vector<1x128xf32>
    %add3A_18 = arith.addf %sub3A, %add3A_17 : vector<1x128xf32>
    %rsqrt3A = math.rsqrt %add3A_18 : vector<1x128xf32>
    %mul3A_19 = arith.mulf %get3A_1, %rsqrt3A : vector<1x128xf32>
    %mul3A_20 = arith.mulf %mul3A_9, %mul3A_19 : vector<1x128xf32>
    %sub3A_21 = arith.subf %get3A_4, %mul3A_20 : vector<1x128xf32>
    %get3A_22 = arith.constant 0 : index
    %get3A_23 = arith.constant 0 : index
    %get3A_24 = vector.load %arg11[%get3A_22, %get3A_23] : memref<1x64xf32, #tpu.memory_space<vmem>>, vector<1x64xf32>
    %get3A_25 = arith.constant 0 : index
    %get3A_26 = arith.constant 0 : index
    %get3A_27 = vector.load %arg12[%get3A_25, %get3A_26] : memref<1x64xf32, #tpu.memory_space<vmem>>, vector<1x64xf32>
    %get3A_28 = arith.constant 0 : index
    %get3A_29 = arith.constant 0 : index
    %get3A_30 = vector.load %arg4[%get3A_28, %get3A_29] : memref<2x64xf32, #tpu.memory_space<vmem>>, vector<1x64xf32>
    %mul3A_31 = arith.constant 9.99999974E-6 : f32
    %mul3A_32 = vector.broadcast %mul3A_31 : f32 to vector<1x64xf32>
    %mul3A_33 = arith.mulf %get3A_30, %mul3A_32 : vector<1x64xf32>
    %get3A_34 = arith.constant 1 : index
    %get3A_35 = arith.constant 0 : index
    %get3A_36 = vector.load %arg4[%get3A_34, %get3A_35] : memref<2x64xf32, #tpu.memory_space<vmem>>, vector<1x64xf32>
    %mul3A_37 = arith.constant 9.99999974E-6 : f32
    %mul3A_38 = vector.broadcast %mul3A_37 : f32 to vector<1x64xf32>
    %mul3A_39 = arith.mulf %get3A_36, %mul3A_38 : vector<1x64xf32>
    %mul3A_40 = arith.mulf %mul3A_33, %mul3A_33 : vector<1x64xf32>
    %sub3A_41 = arith.subf %mul3A_39, %mul3A_40 : vector<1x64xf32>
    %add3A_42 = arith.constant 9.99999974E-6 : f32
    %add3A_43 = vector.broadcast %add3A_42 : f32 to vector<1x64xf32>
    %add3A_44 = arith.addf %sub3A_41, %add3A_43 : vector<1x64xf32>
    %rsqrt3A_45 = math.rsqrt %add3A_44 : vector<1x64xf32>
    %mul3A_46 = arith.mulf %get3A_24, %rsqrt3A_45 : vector<1x64xf32>
    %mul3A_47 = arith.mulf %mul3A_33, %mul3A_46 : vector<1x64xf32>
    %sub3A_48 = arith.subf %get3A_27, %mul3A_47 : vector<1x64xf32>
    %get3A_49 = arith.constant 0 : index
    %get3A_50 = arith.constant 0 : index
    %get3A_51 = vector.load %arg1[%get3A_49, %get3A_50] : memref<4000x4xf32, #tpu.memory_space<vmem>>, vector<4000x4xf32>
    %get3A_52 = arith.constant 0 : index
    %get3A_53 = arith.constant 0 : index
    %get3A_54 = vector.load %arg6[%get3A_52, %get3A_53] : memref<1x128xf32, #tpu.memory_space<vmem>>, vector<1x128xf32>
    %slice3A = vector.extract_strided_slice %get3A_51 {offsets = [0, 0], sizes = [4000, 1], strides = [1, 1]} : vector<4000x4xf32> to vector<4000x1xf32>
    %get3A_55 = arith.constant 0 : index
    %get3A_56 = arith.constant 0 : index
    %get3A_57 = vector.load %arg5[%get3A_55, %get3A_56] : memref<4x128xf32, #tpu.memory_space<vmem>>, vector<1x128xf32>
    %mul3A_58 = vector.broadcast %slice3A : vector<4000x1xf32> to vector<4000x128xf32>
    %mul3A_59 = vector.broadcast %get3A_57 : vector<1x128xf32> to vector<4000x128xf32>
    %mul3A_60 = arith.mulf %mul3A_58, %mul3A_59 : vector<4000x128xf32>
    %add3A_61 = vector.broadcast %get3A_54 : vector<1x128xf32> to vector<4000x128xf32>
    %add3A_62 = arith.addf %add3A_61, %mul3A_60 : vector<4000x128xf32>
    %slice3A_63 = vector.extract_strided_slice %get3A_51 {offsets = [0, 1], sizes = [4000, 1], strides = [1, 1]} : vector<4000x4xf32> to vector<4000x1xf32>
    %get3A_64 = arith.constant 1 : index
    %get3A_65 = arith.constant 0 : index
    %get3A_66 = vector.load %arg5[%get3A_64, %get3A_65] : memref<4x128xf32, #tpu.memory_space<vmem>>, vector<1x128xf32>
    %mul3A_67 = vector.broadcast %slice3A_63 : vector<4000x1xf32> to vector<4000x128xf32>
    %mul3A_68 = vector.broadcast %get3A_66 : vector<1x128xf32> to vector<4000x128xf32>
    %mul3A_69 = arith.mulf %mul3A_67, %mul3A_68 : vector<4000x128xf32>
    %add3A_70 = arith.addf %add3A_62, %mul3A_69 : vector<4000x128xf32>
    %slice3A_71 = vector.extract_strided_slice %get3A_51 {offsets = [0, 2], sizes = [4000, 1], strides = [1, 1]} : vector<4000x4xf32> to vector<4000x1xf32>
    %get3A_72 = arith.constant 2 : index
    %get3A_73 = arith.constant 0 : index
    %get3A_74 = vector.load %arg5[%get3A_72, %get3A_73] : memref<4x128xf32, #tpu.memory_space<vmem>>, vector<1x128xf32>
    %mul3A_75 = vector.broadcast %slice3A_71 : vector<4000x1xf32> to vector<4000x128xf32>
    %mul3A_76 = vector.broadcast %get3A_74 : vector<1x128xf32> to vector<4000x128xf32>
    %mul3A_77 = arith.mulf %mul3A_75, %mul3A_76 : vector<4000x128xf32>
    %add3A_78 = arith.addf %add3A_70, %mul3A_77 : vector<4000x128xf32>
    %slice3A_79 = vector.extract_strided_slice %get3A_51 {offsets = [0, 3], sizes = [4000, 1], strides = [1, 1]} : vector<4000x4xf32> to vector<4000x1xf32>
    %get3A_80 = arith.constant 3 : index
    %get3A_81 = arith.constant 0 : index
    %get3A_82 = vector.load %arg5[%get3A_80, %get3A_81] : memref<4x128xf32, #tpu.memory_space<vmem>>, vector<1x128xf32>
    %mul3A_83 = vector.broadcast %slice3A_79 : vector<4000x1xf32> to vector<4000x128xf32>
    %mul3A_84 = vector.broadcast %get3A_82 : vector<1x128xf32> to vector<4000x128xf32>
    %mul3A_85 = arith.mulf %mul3A_83, %mul3A_84 : vector<4000x128xf32>
    %add3A_86 = arith.addf %add3A_78, %mul3A_85 : vector<4000x128xf32>
    %mul3A_87 = vector.broadcast %mul3A_19 : vector<1x128xf32> to vector<4000x128xf32>
    %mul3A_88 = arith.mulf %add3A_86, %mul3A_87 : vector<4000x128xf32>
    %add3A_89 = vector.broadcast %sub3A_21 : vector<1x128xf32> to vector<4000x128xf32>
    %add3A_90 = arith.addf %mul3A_88, %add3A_89 : vector<4000x128xf32>
    %max3A = arith.constant 0.000000e+00 : f32
    %max3A_91 = vector.broadcast %max3A : f32 to vector<4000x128xf32>
    %max3A_92 = arith.maximumf %add3A_90, %max3A_91 : vector<4000x128xf32>
    %get3A_93 = arith.constant 0 : index
    %get3A_94 = arith.constant 0 : index
    %get3A_95 = vector.load %arg9[%get3A_93, %get3A_94] : memref<128x64xf32, #tpu.memory_space<vmem>>, vector<128x64xf32>
    %dot_general3A = arith.constant dense<0.000000e+00> : vector<4000x64xf32>
    %dot_general3A_96 = tpu.matmul %max3A_92, %get3A_95, %dot_general3A {dimension_numbers = #tpu.dot_dimension_numbers<[1], [0], [0], [1], [0, 0, 1, 1], [], []>, precision = #tpu.contract_precision<fp32>, transpose_lhs_hint = false} : vector<4000x128xf32>, vector<128x64xf32>, vector<4000x64xf32> -> vector<4000x64xf32>
    %get3A_97 = arith.constant 0 : index
    %get3A_98 = arith.constant 0 : index
    %get3A_99 = vector.load %arg10[%get3A_97, %get3A_98] : memref<1x64xf32, #tpu.memory_space<vmem>>, vector<1x64xf32>
    %add3A_100 = vector.broadcast %get3A_99 : vector<1x64xf32> to vector<4000x64xf32>
    %add3A_101 = arith.addf %dot_general3A_96, %add3A_100 : vector<4000x64xf32>
    %mul3A_102 = vector.broadcast %mul3A_46 : vector<1x64xf32> to vector<4000x64xf32>
    %mul3A_103 = arith.mulf %add3A_101, %mul3A_102 : vector<4000x64xf32>
    %add3A_104 = vector.broadcast %sub3A_48 : vector<1x64xf32> to vector<4000x64xf32>
    %add3A_105 = arith.addf %mul3A_103, %add3A_104 : vector<4000x64xf32>
    %max3A_106 = arith.constant 0.000000e+00 : f32
    %max3A_107 = vector.broadcast %max3A_106 : f32 to vector<4000x64xf32>
    %max3A_108 = arith.maximumf %add3A_105, %max3A_107 : vector<4000x64xf32>
    %get3A_109 = arith.constant 0 : index
    %get3A_110 = arith.constant 0 : index
    %get3A_111 = arith.constant 0 : index
    %get3A_112 = vector.load %arg2[%get3A_109, %get3A_110, %get3A_111] : memref<1x1x4000xi32, #tpu.memory_space<vmem>>, vector<1x1x4000xi32>
    %get3A_113 = vector.shape_cast %get3A_112 : vector<1x1x4000xi32> to vector<1x4000xi32>
    %iota3A = tpu.iota {dimensions = array<i32: 0>} : vector<1024x4000xi32>
    %eq3A = vector.broadcast %get3A_113 : vector<1x4000xi32> to vector<1024x4000xi32>
    %eq3A_114 = arith.cmpi eq, %iota3A, %eq3A : vector<1024x4000xi32>
    %convert_element_type3A = arith.extui %eq3A_114 : vector<1024x4000xi1> to vector<1024x4000xi32>
    %convert_element_type3A_115 = arith.sitofp %convert_element_type3A : vector<1024x4000xi32> to vector<1024x4000xf32>
    %convert_element_type3A_116 = arith.truncf %convert_element_type3A_115 : vector<1024x4000xf32> to vector<1024x4000xbf16>
    %convert_element_type3A_117 = arith.truncf %max3A_108 : vector<4000x64xf32> to vector<4000x64xbf16>
    %broadcast_in_dim3A = arith.constant 1.000000e+00 : bf16
    %broadcast_in_dim3A_118 = vector.broadcast %broadcast_in_dim3A : bf16 to vector<4000x1xbf16>
    %concatenate3A = tpu.concatenate %convert_element_type3A_117, %broadcast_in_dim3A_118 in 1 : vector<4000x64xbf16>, vector<4000x1xbf16> -> vector<4000x65xbf16>
    %eq3A_119 = arith.constant 0 : i32
    %eq3A_120 = arith.cmpi eq, %arg0, %eq3A_119 : i32
    %convert_element_type3A_121 = arith.extui %eq3A_120 : i1 to i32
    %cond3A = arith.constant 0 : i32
    %cond3A_122 = arith.cmpi ne, %convert_element_type3A_121, %cond3A : i32
    scf.if %cond3A_122 {
      %broadcast_in_dim3A_136 = arith.constant 0.000000e+00 : f32
      %broadcast_in_dim3A_137 = vector.broadcast %broadcast_in_dim3A_136 : f32 to vector<1024x65xf32>
      %swap3A_138 = arith.constant 0 : index
      %swap3A_139 = arith.constant 0 : index
      %swap3A_140 = vector.load %arg16[%swap3A_138, %swap3A_139] : memref<1024x65xf32, #tpu.memory_space<vmem>>, vector<1024x65xf32>
      tpu.vector_store %arg16[%swap3A_138, %swap3A_139], %broadcast_in_dim3A_137 {strides = array<i32>} : memref<1024x65xf32, #tpu.memory_space<vmem>>, vector<1024x65xf32>,
    } else {
    }
    %get3A_123 = arith.constant 0 : index
    %get3A_124 = arith.constant 0 : index
    %get3A_125 = vector.load %arg16[%get3A_123, %get3A_124] : memref<1024x65xf32, #tpu.memory_space<vmem>>, vector<1024x65xf32>
    %dot_general3A_126 = arith.constant dense<0.000000e+00> : vector<1024x65xf32>
    %dot_general3A_127 = tpu.matmul %convert_element_type3A_116, %concatenate3A, %dot_general3A_126 {dimension_numbers = #tpu.dot_dimension_numbers<[1], [0], [0], [1], [0, 0, 1, 1], [], []>, transpose_lhs_hint = false} : vector<1024x4000xbf16>, vector<4000x65xbf16>, vector<1024x65xf32> -> vector<1024x65xf32>
    %add3A_128 = arith.addf %get3A_125, %dot_general3A_127 : vector<1024x65xf32>
    %swap3A = arith.constant 0 : index
    %swap3A_129 = arith.constant 0 : index
    %swap3A_130 = vector.load %arg16[%swap3A, %swap3A_129] : memref<1024x65xf32, #tpu.memory_space<vmem>>, vector<1024x65xf32>
    tpu.vector_store %arg16[%swap3A, %swap3A_129], %add3A_128 {strides = array<i32>} : memref<1024x65xf32, #tpu.memory_space<vmem>>, vector<1024x65xf32>,
    %eq3A_131 = arith.constant 24 : i32
    %eq3A_132 = arith.cmpi eq, %arg0, %eq3A_131 : i32
    %convert_element_type3A_133 = arith.extui %eq3A_132 : i1 to i32
    %cond3A_134 = arith.constant 0 : i32
    %cond3A_135 = arith.cmpi ne, %convert_element_type3A_133, %cond3A_134 : i32
    scf.if %cond3A_135 {
      %get3A_136 = arith.constant 0 : index
      %get3A_137 = arith.constant 64 : index
      %get3A_138 = vector.load %arg16[%get3A_136, %get3A_137] : memref<1024x65xf32, #tpu.memory_space<vmem>>, vector<1024x1xf32>
      %get3A_139 = arith.constant 0 : index
      %get3A_140 = arith.constant 0 : index
      %get3A_141 = vector.load %arg16[%get3A_139, %get3A_140] : memref<1024x65xf32, #tpu.memory_space<vmem>>, vector<1024x64xf32>
      %max3A_142 = arith.constant 1.000000e+00 : f32
      %max3A_143 = vector.broadcast %max3A_142 : f32 to vector<1024x1xf32>
      %max3A_144 = arith.maximumf %get3A_138, %max3A_143 : vector<1024x1xf32>
      %div3A = vector.broadcast %max3A_144 : vector<1024x1xf32> to vector<1024x64xf32>
      %div3A_145 = arith.divf %get3A_141, %div3A : vector<1024x64xf32>
      %get3A_146 = arith.constant 0 : index
      %get3A_147 = arith.constant 0 : index
      %get3A_148 = vector.load %arg13[%get3A_146, %get3A_147] : memref<64x2xf32, #tpu.memory_space<vmem>>, vector<64x2xf32>
      %dot_general3A_149 = arith.constant dense<0.000000e+00> : vector<1024x2xf32>
      %dot_general3A_150 = tpu.matmul %div3A_145, %get3A_148, %dot_general3A_149 {dimension_numbers = #tpu.dot_dimension_numbers<[1], [0], [0], [1], [0, 0, 1, 1], [], []>, precision = #tpu.contract_precision<fp32>, transpose_lhs_hint = false} : vector<1024x64xf32>, vector<64x2xf32>, vector<1024x2xf32> -> vector<1024x2xf32>
      %get3A_151 = arith.constant 0 : index
      %get3A_152 = arith.constant 0 : index
      %get3A_153 = vector.load %arg14[%get3A_151, %get3A_152] : memref<1x2xf32, #tpu.memory_space<vmem>>, vector<1x2xf32>
      %add3A_154 = vector.broadcast %get3A_153 : vector<1x2xf32> to vector<1024x2xf32>
      %add3A_155 = arith.addf %dot_general3A_150, %add3A_154 : vector<1024x2xf32>
      %reduce_max3A = arith.constant dense<0xFF800000> : vector<1024xf32>
      %reduce_max3A_156 = vector.multi_reduction <maximumf>, %add3A_155, %reduce_max3A [1] : vector<1024x2xf32> to vector<1024xf32>
      %broadcast_in_dim3A_157 = vector.shape_cast %reduce_max3A_156 : vector<1024xf32> to vector<1024x1xf32>
      %sub3A_158 = vector.broadcast %broadcast_in_dim3A_157 : vector<1024x1xf32> to vector<1024x2xf32>
      %sub3A_159 = arith.subf %add3A_155, %sub3A_158 : vector<1024x2xf32>
      %exp3A = math.exp %sub3A_159 : vector<1024x2xf32>
      %reduce_sum3A = arith.constant dense<0.000000e+00> : vector<1024xf32>
      %reduce_sum3A_160 = vector.multi_reduction <add>, %exp3A, %reduce_sum3A [1] : vector<1024x2xf32> to vector<1024xf32>
      %broadcast_in_dim3A_161 = vector.shape_cast %reduce_sum3A_160 : vector<1024xf32> to vector<1024x1xf32>
      %log3A = math.log %broadcast_in_dim3A_161 : vector<1024x1xf32>
      %add3A_162 = arith.addf %broadcast_in_dim3A_157, %log3A : vector<1024x1xf32>
      %sub3A_163 = vector.broadcast %add3A_162 : vector<1024x1xf32> to vector<1024x2xf32>
      %sub3A_164 = arith.subf %add3A_155, %sub3A_163 : vector<1024x2xf32>
      %swap3A_165 = arith.constant 0 : index
      %swap3A_166 = arith.constant 0 : index
      %swap3A_167 = vector.load %arg15[%swap3A_165, %swap3A_166] : memref<1024x2xf32, #tpu.memory_space<vmem>>, vector<1024x2xf32>
      tpu.vector_store %arg15[%swap3A_165, %swap3A_166], %sub3A_164 {strides = array<i32>} : memref<1024x2xf32, #tpu.memory_space<vmem>>, vector<1024x2xf32>,
    } else {
    }
    return
  }
  func.func @transform_0(%arg0: i32) -> (i32, i32) {
    %c0_i32 = arith.constant 0 : i32
    %c0_i32_0 = arith.constant 0 : i32
    return %arg0, %c0_i32 : i32, i32
  }
  func.func @transform_1(%arg0: i32) -> (i32, i32, i32) {
    %c0_i32 = arith.constant 0 : i32
    %c0_i32_0 = arith.constant 0 : i32
    %c0_i32_1 = arith.constant 0 : i32
    return %arg0, %c0_i32, %c0_i32_0 : i32, i32, i32
  }
  func.func @transform_2(%arg0: i32) -> (i32, i32) {
    %c0_i32 = arith.constant 0 : i32
    %c0_i32_0 = arith.constant 0 : i32
    %c0_i32_1 = arith.constant 0 : i32
    return %c0_i32, %c0_i32_0 : i32, i32
  }
  func.func @transform_3(%arg0: i32) -> (i32, i32) {
    %c0_i32 = arith.constant 0 : i32
    %c0_i32_0 = arith.constant 0 : i32
    %c0_i32_1 = arith.constant 0 : i32
    return %c0_i32, %c0_i32_0 : i32, i32
  }
  func.func @transform_4(%arg0: i32) -> (i32, i32) {
    %c0_i32 = arith.constant 0 : i32
    %c0_i32_0 = arith.constant 0 : i32
    %c0_i32_1 = arith.constant 0 : i32
    return %c0_i32, %c0_i32_0 : i32, i32
  }
  func.func @transform_5(%arg0: i32) -> (i32, i32) {
    %c0_i32 = arith.constant 0 : i32
    %c0_i32_0 = arith.constant 0 : i32
    %c0_i32_1 = arith.constant 0 : i32
    return %c0_i32, %c0_i32_0 : i32, i32
  }
  func.func @transform_6(%arg0: i32) -> (i32, i32) {
    %c0_i32 = arith.constant 0 : i32
    %c0_i32_0 = arith.constant 0 : i32
    %c0_i32_1 = arith.constant 0 : i32
    return %c0_i32, %c0_i32_0 : i32, i32
  }
  func.func @transform_7(%arg0: i32) -> (i32, i32) {
    %c0_i32 = arith.constant 0 : i32
    %c0_i32_0 = arith.constant 0 : i32
    %c0_i32_1 = arith.constant 0 : i32
    return %c0_i32, %c0_i32_0 : i32, i32
  }
  func.func @transform_8(%arg0: i32) -> (i32, i32) {
    %c0_i32 = arith.constant 0 : i32
    %c0_i32_0 = arith.constant 0 : i32
    %c0_i32_1 = arith.constant 0 : i32
    return %c0_i32, %c0_i32_0 : i32, i32
  }
  func.func @transform_9(%arg0: i32) -> (i32, i32) {
    %c0_i32 = arith.constant 0 : i32
    %c0_i32_0 = arith.constant 0 : i32
    %c0_i32_1 = arith.constant 0 : i32
    return %c0_i32, %c0_i32_0 : i32, i32
  }
  func.func @transform_10(%arg0: i32) -> (i32, i32) {
    %c0_i32 = arith.constant 0 : i32
    %c0_i32_0 = arith.constant 0 : i32
    %c0_i32_1 = arith.constant 0 : i32
    return %c0_i32, %c0_i32_0 : i32, i32
  }
  func.func @transform_11(%arg0: i32) -> (i32, i32) {
    %c0_i32 = arith.constant 0 : i32
    %c0_i32_0 = arith.constant 0 : i32
    %c0_i32_1 = arith.constant 0 : i32
    return %c0_i32, %c0_i32_0 : i32, i32
  }
  func.func @transform_12(%arg0: i32) -> (i32, i32) {
    %c0_i32 = arith.constant 0 : i32
    %c0_i32_0 = arith.constant 0 : i32
    %c0_i32_1 = arith.constant 0 : i32
    return %c0_i32, %c0_i32_0 : i32, i32
  }
  func.func @transform_13(%arg0: i32) -> (i32, i32) {
    %c0_i32 = arith.constant 0 : i32
    %c0_i32_0 = arith.constant 0 : i32
    %c0_i32_1 = arith.constant 0 : i32
    return %c0_i32, %c0_i32_0 : i32, i32
  }
  func.func @transform_14(%arg0: i32) -> (i32, i32) {
    %c0_i32 = arith.constant 0 : i32
    %c0_i32_0 = arith.constant 0 : i32
    %c0_i32_1 = arith.constant 0 : i32
    return %c0_i32, %c0_i32_0 : i32, i32
  }
}

</mosaic_0001>

<sc_bundles>
// kernel: kernel.6.cloned.1.call-start
scs
__scs_entry_jumppad:
0x0: {  	(pc) =	sbr.rel $0x88, $3  }
0x1: {  	(tag) =	ssettag $0x0;
	lr =	simm.s32 $0x1  }
0x2: {  	[smem:$0x3F93] =	sst lr;
	_ =	strace $0xD0000000  }
0x3: {  	_ = 	snop  }
0x4: {  	_ = 	snop  }
0x5: {  	_ = 	snop  }
0x6: {  	_ = 	snop  }
0x7: {  	_ = 	snop  }
__scs_overlays_trampoline_lowered:
0x8: {  	[smem:$0x3FA2] =	sst s0  }
0x9: {  	[smem:$0x3FA3] =	sst s1  }
0xa: {  	[smem:$0x3FA4] =	sst s2  }
0xb: {  	[smem:$0x3FA5] =	sst s3  }
0xc: {  	[smem:$0x3FA6] =	sst s4  }
0xd: {  	[smem:$0x3FA7] =	sst s5  }
0xe: {  	[smem:$0x3FA8] =	sst s6  }
0xf: {  	[smem:$0x3FA9] =	sst s7  }
0x10: {  	[smem:$0x3FAA] =	sst s8  }
0x11: {  	[smem:$0x3FAB] =	sst s9;
	s0 =	simm.s32 @!p0 $0x0  }
0x12: {  	s1 =	sld [smem:$0x3F91];
	s0 =	simm.s32 @p0 $0x1  }
0x13: {  	[smem:$0x3FAC] =	sst s0;
	s0 =	simm.s32 @!p1 $0x0  }
0x14: {  	s2 =	sld [smem:$0x3F90];
	s0 =	simm.s32 @p1 $0x1  }
0x15: {  	[smem:$0x3FAD] =	sst s0;
	s0 =	simm.s32 @!p2 $0x0  }
0x16: {  	s3 =	sld [smem:$0x3FDB];
	s0 =	simm.s32 @p2 $0x1  }
0x17: {  	s4 =	simm.s32 $0x1BF5;
	[smem:$0x3FAF] =	sst s0  }
0x18: {  	s0 =	sld [smem:$0x3F92];
	_ =	swait.ge [sflag:s4], $0x0  }
0x19: {  	s7 =	sld [smem:$0x3F93]  }
0x1a: {  	s8 =	sadd.s32 $0xFFFFE003, lr  }
0x1b: {  	s9 =	sadd.s32 $0xFFFFFEF7, lr;
	s5 =	simm.s32 $0xFFFFFFFF;
	p2 =	slt.u32 s8, $0xFFFFF086  }
0x1c: {  	p1 =	slt.u32 s9, $0xF7A;
	s5 =	simm.s32 @!p2 $0x0  }
0x1d: {  	s5 =	simm.s32 @p1 $0x1;
	p0 =	seq.s32 s7, s2  }
0x1e: {  	s7 =	smul.u32 @!p0 $0xF7A, s2;
	p2 =	seq.s32 @!p0 s5, $0x0  }
0x1f: {  	s9 =	smul.u32 $0xF7A, s1;
	s8 =	simm.s32 @!p0 $0x1BF5;
	p2 =	por !p2, p0  }
0x20: {  	[sflag:s8] =	ssyncset.s32 @!p0 $0xFFFFF086;
	s6 =	sadd.s32 @!p0 s3, s7;
	s7 =	simm.s32 @!p0 $0x108  }
0x21: {  	s3 =	sadd.s32 s3, s9;
	s6 =	sadd.s32 @!p0 $0x88, s6;
	s7 =	simm.s32 @p2 $0x1082  }
0x22: {  	[simem:s7], [sflag:s8] =	dma.local @!p0 [hbm:s6], $0xF7A  }
0x23: {  	s9 =	sor.u32 $0xD0000000, s2;
	s6 =	simm.s32 $0x108;
	_ =	swait.ge @!p0 [sflag:s8], $0x0  }
0x24: {  	s3 =	sadd.s32 $0x88, s3;
	s6 =	simm.s32 @!p1 $0x1082;
	[sflag:s4] =	ssyncset.s32 $0xFFFFF086  }
0x25: {  	[simem:s6], [sflag:s4] =	dma.local [hbm:s3], $0xF7A  }
0x26: {  	[smem:$0x3F93] =	sst s1;
	(tag) =	ssettag s2;
	_ =	strace s9  }
0x27: {  	s1 =	sld [smem:$0x3FA3]  }
0x28: {  	s2 =	sld [smem:$0x3FA4]  }
0x29: {  	s4 =	sld [smem:$0x3FA6]  }
0x2a: {  	p0 =	seq.s32 s5, $0x0;
	s5 =	sld [smem:$0x3FA7]  }
0x2b: {  	s6 =	sld [smem:$0x3FA8]  }
0x2c: {  	s7 =	sld [smem:$0x3FA9]  }
0x2d: {  	s3 =	simm.s32 $0x108;
	s8 =	sld [smem:$0x3FAA]  }
0x2e: {  	s3 =	simm.s32 @!p0 $0x1082;
	s9 =	sld [smem:$0x3FAB]  }
0x2f: {  	lr =	sadd.s32 s0, s3;
	s0 =	sld [smem:$0x3FA2]  }
0x30: {  	s3 =	sld [smem:$0x3FA5]  }
0x31: {  	[smem:$0x3FAE] =	sst s10  }
0x32: {  	s10 =	sld [smem:$0x3FAC];
	_ =	sdelay $0x3  }
0x33: {  	p0 =	seq.s32 s10, $0x1;
	s10 =	sld [smem:$0x3FAE];
	_ =	sdelay $0x3  }
0x34: {  	[smem:$0x3FAE] =	sst s10  }
0x35: {  	s10 =	sld [smem:$0x3FAD];
	_ =	sdelay $0x3  }
0x36: {  	p1 =	seq.s32 s10, $0x1;
	s10 =	sld [smem:$0x3FAE];
	_ =	sdelay $0x3  }
0x37: {  	[smem:$0x3FAE] =	sst s10  }
0x38: {  	s10 =	sld [smem:$0x3FAF]  }
0x39: {  	_ = 	snop;
	(pc) =	sbr.ind lr, $3  }
0x3a: {  	_ = 	snop  }
0x3b: {  	_ = 	snop  }
0x3c: {  	p2 =	seq.s32 s10, $0x1;
	s10 =	sld [smem:$0x3FAE]  }
0x3d: {  	_ =	shalt  }
0x3e: {  	_ =	shalt  }
0x3f: {  	_ =	shalt  }
0x40: {  	_ =	shalt  }
0x41: {  	_ =	shalt  }
0x42: {  	_ =	shalt  }
0x43: {  	_ =	shalt  }
0x44: {  	_ =	shalt  }
0x45: {  	_ =	shalt  }
0x46: {  	_ =	shalt  }
0x47: {  	_ =	shalt  }
0x48: {  	_ =	shalt  }
0x49: {  	_ =	shalt  }
0x4a: {  	_ =	shalt  }
0x4b: {  	_ =	shalt  }
0x4c: {  	_ =	shalt  }
0x4d: {  	_ =	shalt  }
0x4e: {  	_ =	shalt  }
0x4f: {  	_ =	shalt  }
0x50: {  	_ =	shalt  }
0x51: {  	_ =	shalt  }
0x52: {  	_ =	shalt  }
0x53: {  	_ =	shalt  }
0x54: {  	_ =	shalt  }
0x55: {  	_ =	shalt  }
0x56: {  	_ =	shalt  }
0x57: {  	_ =	shalt  }
0x58: {  	_ =	shalt  }
0x59: {  	_ =	shalt  }
0x5a: {  	_ =	shalt  }
0x5b: {  	_ =	shalt  }
0x5c: {  	_ =	shalt  }
0x5d: {  	_ =	shalt  }
0x5e: {  	_ =	shalt  }
0x5f: {  	_ =	shalt  }
0x60: {  	_ =	shalt  }
0x61: {  	_ =	shalt  }
0x62: {  	_ =	shalt  }
0x63: {  	_ =	shalt  }
0x64: {  	_ =	shalt  }
0x65: {  	_ =	shalt  }
0x66: {  	_ =	shalt  }
0x67: {  	_ =	shalt  }
0x68: {  	_ =	shalt  }
0x69: {  	_ =	shalt  }
0x6a: {  	_ =	shalt  }
0x6b: {  	_ =	shalt  }
0x6c: {  	_ =	shalt  }
0x6d: {  	_ =	shalt  }
0x6e: {  	_ =	shalt  }
0x6f: {  	_ =	shalt  }
0x70: {  	_ =	shalt  }
0x71: {  	_ =	shalt  }
0x72: {  	_ =	shalt  }
0x73: {  	_ =	shalt  }
0x74: {  	_ =	shalt  }
0x75: {  	_ =	shalt  }
0x76: {  	_ =	shalt  }
0x77: {  	_ =	shalt  }
0x78: {  	_ =	shalt  }
0x79: {  	_ =	shalt  }
0x7a: {  	_ =	shalt  }
0x7b: {  	_ =	shalt  }
0x7c: {  	_ =	shalt  }
0x7d: {  	_ =	shalt  }
0x7e: {  	_ =	shalt  }
0x7f: {  	_ =	shalt  }
0x80: {  	_ =	shalt  }
0x81: {  	_ =	shalt  }
0x82: {  	_ =	shalt  }
0x83: {  	_ =	shalt  }
0x84: {  	_ =	shalt  }
0x85: {  	_ =	shalt  }
0x86: {  	_ =	shalt  }
0x87: {  	_ =	shalt  }
.Lfunc_end0:
.L_simem_size_0:
called_computation.1_lowered:
.L_overlay_start_0:
0x88: {  	s2 =	sld [smem:$0x3FD9]  }
0x89: {  	s3 =	sld [smem:$0x3FFE];
	_ =	sdelay $0x1  }
0x8a: {  	s1 =	srdreg.scid  }
0x8b: {  	s0 =	sand.u32 $0x1, s1  }
0x8c: {  	s16 =	sshll.u32 s0, $0xA;
	s2 =	sadd.s32 s3, s2  }
0x8d: {  	s2 =	sadd.s32 s2, s16  }
0x8e: {  	[smem:$0x3FBA] =	sst s2  }
0x8f: {  	_ = 	snop  }
0x90: {  	(tm) =	ssettm $0x1  }
0x91: {  	s17 =	sld [smem:$0x3FFB];
	_ =	sdelay $0x3  }
0x92: {  	_ =	strace s17  }
0x93: {  	s2 =	sld [smem:$0x3FFC];
	_ =	sdelay $0x3  }
0x94: {  	_ =	strace s2  }
0x95: {  	s2 =	sld [smem:$0x3FFD];
	_ =	sdelay $0x3  }
0x96: {  	_ =	strace s2  }
0x97: {  	_ =	strace $0x8FFFFFFF  }
0x98: {  	s18 =	sld [smem:$0x3FDB];
	_ =	sdelay $0x1  }
0x99: {  	s19 =	simm.s32 $_scs_section_size  }
0x9a: {  	s4 =	simm.s32 $_size__tile_overlayer_lowered;
	s5 =	simm.s32 $_tile_overlayer_lowered  }
0x9b: {  	s22 =	simm.s32 $0x1BFF;
	s21 =	sshll.u32 s5, $0x1;
	s2 =	sadd.s32 s19, s18  }
0x9c: {  	s6 =	simm.s32 $0x0;
	s20 =	sshll.u32 s4, $0x1;
	s4 =	sadd.s32 s21, s2  }
0x9d: {  	[timem:s6], [sflag:s22] =	dma.local [hbm:s4], s20  }
0x9e: {  	_ =	swait.ge [sflag:s22], s20  }
0x9f: {  	s3 =	ssub.s32 $0x0, s20;
	[sflag:s22] =	ssyncset.done $0x0  }
0xa0: {  	[sflag:s22] =	ssyncadd.s32 s3;
	_ =	sdelay $0x1  }
0xa1: {  	s23 =	simm.s32 $0x1B8B  }
0xa2: {  	_ =	swait.ge [sflag:s23], $0x1  }
0xa3: {  	[sflag:s23] =	ssyncset.done $0x0  }
0xa4: {  	s25 =	simm.s32 $0x1B8E;
	s24 =	sld [smem:$0x3FFE];
	[sflag:s23] =	ssyncadd.s32 $0xFFFFFFFF  }
0xa5: {  	s26 =	simm.s32 $execute0_lowered;
	[smem:$0x3FD2] =	sst s25  }
0xa6: {  	s4 =	sshll.u32 s26, $0x1;
	_ =	strace $0x80000049;
	[dreg:$0x1] =	wrdreg $0xFFFFFFFF  }
0xa7: {  	s28 =	simm.s32 $_size_execute0_lowered;
	s2 =	sadd.s32 s2, s4;
	[dreg:$0x0] =	wrdreg $0x0  }
0xa8: {  	s4 =	sshll.u32 s28, $0x1;
	[dreg:$0x2] =	wrdreg s2  }
0xa9: {  	[dreg:$0x3] =	wrdreg s4  }
0xaa: {  	[dreg:$0x4] =	wrdreg $0xC0  }
0xab: {  	_ =	task [dreg:s6], $0x5FFFF  }
0xac: {  	[dreg:$0x1] =	wrdreg $0xFFFFFFFF  }
0xad: {  	[dreg:$0x0] =	wrdreg $0x60  }
0xae: {  	[dreg:$0x2] =	wrdreg s24  }
0xaf: {  	[dreg:$0x3] =	wrdreg $0x9C400  }
0xb0: {  	[dreg:$0x4] =	wrdreg $0x9  }
0xb1: {  	_ =	task.clear_ibuf [dreg:s6], $0x5FFFF;
	_ =	strace $0x90000049  }
0xb2: {  	s29 =	simm.s32 $0x9;
	_ =	strace $0x8000004B  }
0xb3: {  	_ =	swait.ge [sflag:s29], $0x1  }
0xb4: {  	[sflag:s29] =	ssyncadd.s32 $0xFFFFFFFF  }
0xb5: {  	_ =	strace $0x9000004B  }
0xb6: {  	_ =	sfence  }
0xb7: {  	s30 =	sld [smem:$0x0];
	_ =	sdelay $0x2  }
0xb8: {  	s31 =	sshll.u32 s1, $0xD;
	s1 =	sshrl.u32 s1, $0x2  }
0xb9: {  	s3 =	sand.u32 $0x4000, s31;
	s1 =	sadd.s32 s1, s30  }
0xba: {  	s0 =	sor.u32 s3, s0;
	s1 =	sshll.u32 s1, $0x11  }
0xbb: {  	s0 =	sor.u32 s1, s0  }
0xbc: {  	s0 =	sadd.s32 $0x8F2B, s0  }
0xbd: {  	[sflag:s0] =	ssyncadd.remote.s32 $0x1  }
0xbe: {  	_ =	sfence.sel $0xFFFF  }
0xbf: {  	[dreg:$0x0] =	wrdreg $0xFFFFFFFF;
	(pc) =	sbr.abs _section_cstart, $3  }
0xc0: {  	[dreg:$0x1] =	wrdreg $0xFFFFFFFF  }
0xc1: {  	_ =	task.clear_ibuf [dreg:s6], $0x2FFFF;
	_ =	strace $0x9FFFFFFF  }
0xc2: {  	(tm) =	ssettm $0x7FFFFFFF  }
0xc3: {  	_ =	shalt  }
tec
execute0_lowered:
.L_overlay_start_1:
0x0: {  	(tag) =	ssettag $0x1  }
0x1: {  	s0 =	rddreg [dreg:$0x0]  }
0x2: {  	s1 =	rddreg [dreg:$0x1]  }
0x3: {  	s3 =	simm.s32 $0x0;
	s2 =	stileid.u32;
	s5 =	srdreg.scid  }
0x4: {  	s28 =	simm.s32 $0x7D00;
	s29 =	simm.s32 $0x2;
	s30 =	simm.s32 $0x3  }
0x5: {  	s31 =	simm.s32 $0x0;
	[smem:$0x7FF] =	sst s3;
	s6 =	smul.u32 $0xCB20, s2  }
0x6: {  	s4 =	sadd.s32 $0x4A5A00, s0;
	s13 =	sadd.s32 $0x2200, s0;
	s7 =	smul.u32 $0x1964, s2  }
0x7: {  	s8 =	sand.u32 $0x1, s5;
	s10 =	smul.u32 $0x61A80, s2;
	s2 =	sshll.u32 s2, $0x6  }
0x8: {  	_ =	strace $0x8000004A;
	s9 =	ssub.s32 $0x2, s8;
	s12 =	smul.u32 $0x30D40, s8  }
0x9: {  	s8 =	smul.u32 $0x19640, s8;
	s26 =	sshrl.u32 s6, $0x3;
	s11 =	sshrl.u32 s9, $0x1  }
0xa: {  	s14 =	sadd.s32 s6, s1;
	s6 =	sor.u32 $0x1C04, s2;
	s5 =	sadd.s32 s26, s0  }
0xb: {  	s0 =	sadd.s32 s7, s0;
	s9 =	ssub.s32 s9, s11;
	s14 =	sshrl.u32 s14, $0x3  }
0xc: {  	s5 =	sadd.s32 $0x30F600, s5;
	s0 =	sadd.s32 s8, s0;
	s8 =	smax.u32 s9, $0x1  }
0xd: {  	[dreg:$0x6] =	wrdreg s5;
	s5 =	sadd.s32 s12, s10;
	s0 =	sadd.s32 $0x328E00, s0  }
0xe: {  	s15 =	sadd.s32 $0x61B3B8, s5;
	s10 =	sadd.s32 $0x61AFD0, s5;
	[dreg:$0x7] =	wrdreg s0  }
0xf: {  	s20 =	sadd.s32 $0x61ABE8, s5;
	s22 =	sshrl.u32 s5, $0x3;
	s23 =	sadd.s32 $0x61A800, s5  }
0x10: {  	s25 =	sadd.s32 $0xBB8, s5;
	s12 =	sadd.s32 $0x7D0, s5;
	s16 =	sshrl.u32 s15, $0x3  }
0x11: {  	s18 =	sshrl.u32 s10, $0x3;
	s21 =	sshrl.u32 s20, $0x3;
	s9 =	sadd.s32 s22, s13  }
0x12: {  	s24 =	sshrl.u32 s23, $0x3;
	s12 =	sshrl.u32 s12, $0x3;
	s15 =	sadd.s32 $0x3E8, s5  }
0x13: {  	s20 =	simm.s32 $0x1770;
	s22 =	simm.s32 $0x1B58;
	s23 =	simm.s32 $0x1  }
0x14: {  	s17 =	sadd.s32 s16, s13;
	s19 =	sadd.s32 s18, s13;
	s0 =	sadd.s32 s21, s13  }
0x15: {  	s10 =	sadd.s32 s24, s13;
	s12 =	sadd.s32 s12, s13;
	s26 =	sshrl.u32 s15, $0x3  }
0x16: {  	s15 =	simm.s32 $0x4;
	s16 =	simm.s32 $0xFA0;
	[dreg:$0x3] =	wrdreg s17  }
0x17: {  	s18 =	simm.s32 $0x1388;
	s21 =	simm.s32 $0xBB8;
	[dreg:$0x4] =	wrdreg s19  }
0x18: {  	s24 =	simm.s32 $0x1F40;
	[dreg:$0x5] =	wrdreg s0;
	s0 =	sshrl.u32 s25, $0x3  }
0x19: {  	s17 =	simm.s32 $0x3E8;
	s19 =	simm.s32 $0x7D0;
	s25 =	simm.s32 $0x3E80  }
0x1a: {  	s11 =	sadd.s32 s0, s13;
	s13 =	sadd.s32 s26, s13;
	s26 =	simm.s32 $0x5DC0  }
.LBB2_1:
0x1b: {  	s0 =	rddreg [dreg:$0x6]  }
0x1c: {  	[spmem:s14], [sflag:s6] =	dma.local [hbm:s0], $0x1964  }
0x1d: {  	_ =	swait.ge [sflag:s15], $0x1964  }
0x1e: {  	[sflag:s15] =	ssyncset.done $0x0  }
0x1f: {  	[sflag:s15] =	ssyncadd.s32 $0xFFFFE69C  }
0x20: {  	s2 =	sadd.s32 $0x0, s9;
	[bflag:$0x0] =	sbarrier.arrive $0xFFFF  }
0x21: {  	[tilespmem:s3], [sflag:$0x1] =	stream.linear.gather [hbm4b:s2+s3], $0x3E8, $0x38;
	[tilespmem:$0x16760] =	vst v63  }
0x22: {  	s5 =	sadd.s32 $0x0, s10  }
0x23: {  	[tilespmem:s16], [sflag:$0x1] =	stream.linear.gather [hbm4b:s5+s3], $0x3E8, $0x38;
	[tilespmem:$0x16760] =	vst v63  }
0x24: {  	s7 =	sadd.s32 $0x0, s13;
	s2 =	rddreg [dreg:$0x5]  }
0x25: {  	[tilespmem:s17], [sflag:$0x1] =	stream.linear.gather [hbm4b:s7+s3], $0x3E8, $0x38;
	[tilespmem:$0x16760] =	vst v63  }
0x26: {  	s2 =	sadd.s32 $0x0, s2  }
0x27: {  	[tilespmem:s18], [sflag:$0x1] =	stream.linear.gather [hbm4b:s2+s3], $0x3E8, $0x38;
	[tilespmem:$0x16760] =	vst v63  }
0x28: {  	s5 =	rddreg [dreg:$0x4];
	s7 =	sadd.s32 $0x0, s12  }
0x29: {  	[tilespmem:s19], [sflag:$0x1] =	stream.linear.gather [hbm4b:s7+s3], $0x3E8, $0x38;
	[tilespmem:$0x16760] =	vst v63  }
0x2a: {  	s5 =	sadd.s32 $0x0, s5  }
0x2b: {  	[tilespmem:s20], [sflag:$0x1] =	stream.linear.gather [hbm4b:s5+s3], $0x3E8, $0x38;
	[tilespmem:$0x16760] =	vst v63  }
0x2c: {  	p0 =	por $0x1, $0x1;
	s7 =	rddreg [dreg:$0x3];
	s5 =	sadd.s32 $0x0, s11  }
0x2d: {  	[tilespmem:s21], [sflag:$0x1] =	stream.linear.gather [hbm4b:s5+s3], $0x3E8, $0x38;
	[tilespmem:$0x16760] =	vst v63  }
0x2e: {  	s0 =	simm.s32 @!p0 $0x3;
	s7 =	sadd.s32 $0x0, s7  }
0x2f: {  	[tilespmem:s22], [sflag:$0x1] =	stream.linear.gather [hbm4b:s7+s3], $0x3E8, $0x38;
	[tilespmem:$0x16760] =	vst v63  }
0x30: {  	_ =	swait.ge @!p0 [sflag:s0], $0x1F40  }
0x31: {  	[sflag:s0] =	ssyncset.done @!p0 $0x0  }
0x32: {  	[sflag:s0] =	ssyncadd.s32 @!p0 $0xFFFFE0C0  }
0x33: {  	_ =	swait.ge @!p0 [sflag:s0], $0x1F40  }
0x34: {  	[sflag:s0] =	ssyncset.done @!p0 $0x0  }
0x35: {  	[sflag:s0] =	ssyncadd.s32 @!p0 $0xFFFFE0C0  }
0x36: {  	_ =	swait.ge @!p0 [sflag:s0], $0x1F40  }
0x37: {  	[sflag:s0] =	ssyncset.done @!p0 $0x0  }
0x38: {  	[sflag:s0] =	ssyncadd.s32 @!p0 $0xFFFFE0C0  }
0x39: {  	_ =	swait.ge @!p0 [sflag:s0], $0x1F40  }
0x3a: {  	[sflag:s0] =	ssyncset.done @!p0 $0x0  }
0x3b: {  	[sflag:s0] =	ssyncadd.s32 @!p0 $0xFFFFE0C0  }
0x3c: {  	_ =	swait.ge [sflag:s23], $0x3E8  }
0x3d: {  	[sflag:s23] =	ssyncset.done $0x0  }
0x3e: {  	[sflag:s23] =	ssyncadd.s32 $0xFFFFFC18  }
0x3f: {  	_ =	swait.ge [sflag:s23], $0x3E8  }
0x40: {  	[sflag:s23] =	ssyncset.done $0x0  }
0x41: {  	[sflag:s23] =	ssyncadd.s32 $0xFFFFFC18  }
0x42: {  	_ =	swait.ge [sflag:s23], $0x3E8  }
0x43: {  	[sflag:s23] =	ssyncset.done $0x0  }
0x44: {  	[sflag:s23] =	ssyncadd.s32 $0xFFFFFC18  }
0x45: {  	_ =	swait.ge [sflag:s23], $0x3E8  }
0x46: {  	[sflag:s23] =	ssyncset.done $0x0  }
0x47: {  	[sflag:s23] =	ssyncadd.s32 $0xFFFFFC18  }
0x48: {  	_ =	swait.ge [sflag:s23], $0x3E8  }
0x49: {  	[sflag:s23] =	ssyncset.done $0x0  }
0x4a: {  	[sflag:s23] =	ssyncadd.s32 $0xFFFFFC18  }
0x4b: {  	_ =	swait.ge [sflag:s23], $0x3E8  }
0x4c: {  	[sflag:s23] =	ssyncset.done $0x0  }
0x4d: {  	[sflag:s23] =	ssyncadd.s32 $0xFFFFFC18  }
0x4e: {  	_ =	swait.ge [sflag:s23], $0x3E8  }
0x4f: {  	[sflag:s23] =	ssyncset.done $0x0  }
0x50: {  	[sflag:s23] =	ssyncadd.s32 $0xFFFFFC18  }
0x51: {  	_ =	swait.ge [sflag:s23], $0x3E8  }
0x52: {  	[sflag:s23] =	ssyncset.done $0x0  }
0x53: {  	[sflag:s23] =	ssyncadd.s32 $0xFFFFFC18  }
0x54: {  	[tilespmem:s24], [sflag:$0x2] =	stream.indirect.gather [hbm4b:s4+s17], $0x8, s3, s17, $0xb8;
	[tilespmem:$0x16760] =	vst v63  }
0x55: {  	_ = 	snop  }
0x56: {  	[tilespmem:s25], [sflag:$0x2] =	stream.indirect.gather [hbm4b:s4+s17], $0x8, s17, s17, $0xb8;
	[tilespmem:$0x16760] =	vst v63  }
0x57: {  	_ = 	snop  }
0x58: {  	[tilespmem:s26], [sflag:$0x2] =	stream.indirect.gather [hbm4b:s4+s17], $0x8, s19, s17, $0xb8;
	[tilespmem:$0x16760] =	vst v63  }
0x59: {  	_ = 	snop  }
0x5a: {  	[tilespmem:s28], [sflag:$0x2] =	stream.indirect.gather [hbm4b:s4+s17], $0x8, s21, s17, $0xb8;
	[tilespmem:$0x16760] =	vst v63  }
0x5b: {  	_ =	swait.ge [sflag:s29], $0x1F40  }
0x5c: {  	[sflag:s29] =	ssyncset.done $0x0  }
0x5d: {  	[sflag:s29] =	ssyncadd.s32 $0xFFFFE0C0  }
0x5e: {  	[spmem:s1] =	stream.indirect.scatter.add.f32 [tilespmem:s24], [sflag:$0x3], $0x8, s16, s17, $0xb8;
	[tilespmem:$0x16760] =	vst v63  }
0x5f: {  	_ =	swait.ge [sflag:s29], $0x1F40  }
0x60: {  	[sflag:s29] =	ssyncset.done $0x0  }
0x61: {  	[sflag:s29] =	ssyncadd.s32 $0xFFFFE0C0  }
0x62: {  	[spmem:s1] =	stream.indirect.scatter.add.f32 [tilespmem:s25], [sflag:$0x3], $0x8, s18, s17, $0xb8;
	[tilespmem:$0x16760] =	vst v63  }
0x63: {  	_ =	swait.ge [sflag:s29], $0x1F40  }
0x64: {  	[sflag:s29] =	ssyncset.done $0x0  }
0x65: {  	[sflag:s29] =	ssyncadd.s32 $0xFFFFE0C0  }
0x66: {  	[spmem:s1] =	stream.indirect.scatter.add.f32 [tilespmem:s26], [sflag:$0x3], $0x8, s20, s17, $0xb8;
	[tilespmem:$0x16760] =	vst v63  }
0x67: {  	_ =	swait.ge [sflag:s29], $0x1F40  }
0x68: {  	s0 =	simm.s32 $0x1F4;
	[sflag:s29] =	ssyncset.done $0x0  }
.LBB2_2:
0x69: {  	[sflag:s29] =	ssyncadd.s32 $0xFFFFE0C0;
	s2 =	smov.u32 s0  }
0x6a: {  	[spmem:s1] =	stream.indirect.scatter.add.f32 [tilespmem:s28], [sflag:$0x3], $0x8, s22, s17, $0xb8;
	[tilespmem:$0x16760] =	vst v63  }
0x6b: {  	s5 =	sadd.s32 s2, s9  }
0x6c: {  	[tilespmem:s3], [sflag:$0x1] =	stream.linear.gather [hbm4b:s5+s3], $0x3E8, $0x38;
	[tilespmem:$0x16760] =	vst v63  }
0x6d: {  	s5 =	sadd.s32 s2, s10  }
0x6e: {  	[tilespmem:s16], [sflag:$0x1] =	stream.linear.gather [hbm4b:s5+s3], $0x3E8, $0x38;
	[tilespmem:$0x16760] =	vst v63  }
0x6f: {  	s7 =	rddreg [dreg:$0x5];
	s5 =	sadd.s32 s2, s13  }
0x70: {  	[tilespmem:s17], [sflag:$0x1] =	stream.linear.gather [hbm4b:s5+s3], $0x3E8, $0x38;
	[tilespmem:$0x16760] =	vst v63  }
0x71: {  	s5 =	sadd.s32 s2, s7  }
0x72: {  	[tilespmem:s18], [sflag:$0x1] =	stream.linear.gather [hbm4b:s5+s3], $0x3E8, $0x38;
	[tilespmem:$0x16760] =	vst v63  }
0x73: {  	s7 =	rddreg [dreg:$0x4];
	s5 =	sadd.s32 s2, s12  }
0x74: {  	[tilespmem:s19], [sflag:$0x1] =	stream.linear.gather [hbm4b:s5+s3], $0x3E8, $0x38;
	[tilespmem:$0x16760] =	vst v63  }
0x75: {  	s5 =	sadd.s32 s2, s7  }
0x76: {  	[tilespmem:s20], [sflag:$0x1] =	stream.linear.gather [hbm4b:s5+s3], $0x3E8, $0x38;
	[tilespmem:$0x16760] =	vst v63  }
0x77: {  	p1 =	seq.s32 s2, $0x0;
	s7 =	rddreg [dreg:$0x3];
	s5 =	sadd.s32 s2, s11  }
0x78: {  	[tilespmem:s21], [sflag:$0x1] =	stream.linear.gather [hbm4b:s5+s3], $0x3E8, $0x38;
	[tilespmem:$0x16760] =	vst v63  }
0x79: {  	s7 =	sadd.s32 s2, s7;
	s2 =	simm.s32 @!p1 $0x3  }
0x7a: {  	[tilespmem:s22], [sflag:$0x1] =	stream.linear.gather [hbm4b:s7+s3], $0x3E8, $0x38;
	[tilespmem:$0x16760] =	vst v63  }
0x7b: {  	_ =	swait.ge @!p1 [sflag:s2], $0x1F40  }
0x7c: {  	[sflag:s2] =	ssyncset.done @!p1 $0x0  }
0x7d: {  	[sflag:s2] =	ssyncadd.s32 @!p1 $0xFFFFE0C0  }
0x7e: {  	_ =	swait.ge @!p1 [sflag:s2], $0x1F40  }
0x7f: {  	[sflag:s2] =	ssyncset.done @!p1 $0x0  }
0x80: {  	[sflag:s2] =	ssyncadd.s32 @!p1 $0xFFFFE0C0  }
0x81: {  	_ =	swait.ge @!p1 [sflag:s2], $0x1F40  }
0x82: {  	[sflag:s2] =	ssyncset.done @!p1 $0x0  }
0x83: {  	[sflag:s2] =	ssyncadd.s32 @!p1 $0xFFFFE0C0  }
0x84: {  	_ =	swait.ge @!p1 [sflag:s2], $0x1F40  }
0x85: {  	[sflag:s2] =	ssyncset.done @!p1 $0x0  }
0x86: {  	[sflag:s2] =	ssyncadd.s32 @!p1 $0xFFFFE0C0  }
0x87: {  	_ =	swait.ge [sflag:s23], $0x3E8  }
0x88: {  	[sflag:s23] =	ssyncset.done $0x0  }
0x89: {  	[sflag:s23] =	ssyncadd.s32 $0xFFFFFC18  }
0x8a: {  	_ =	swait.ge [sflag:s23], $0x3E8  }
0x8b: {  	[sflag:s23] =	ssyncset.done $0x0  }
0x8c: {  	[sflag:s23] =	ssyncadd.s32 $0xFFFFFC18  }
0x8d: {  	_ =	swait.ge [sflag:s23], $0x3E8  }
0x8e: {  	[sflag:s23] =	ssyncset.done $0x0  }
0x8f: {  	[sflag:s23] =	ssyncadd.s32 $0xFFFFFC18  }
0x90: {  	_ =	swait.ge [sflag:s23], $0x3E8  }
0x91: {  	[sflag:s23] =	ssyncset.done $0x0  }
0x92: {  	[sflag:s23] =	ssyncadd.s32 $0xFFFFFC18  }
0x93: {  	_ =	swait.ge [sflag:s23], $0x3E8  }
0x94: {  	[sflag:s23] =	ssyncset.done $0x0  }
0x95: {  	[sflag:s23] =	ssyncadd.s32 $0xFFFFFC18  }
0x96: {  	_ =	swait.ge [sflag:s23], $0x3E8  }
0x97: {  	[sflag:s23] =	ssyncset.done $0x0  }
0x98: {  	[sflag:s23] =	ssyncadd.s32 $0xFFFFFC18  }
0x99: {  	_ =	swait.ge [sflag:s23], $0x3E8  }
0x9a: {  	[sflag:s23] =	ssyncset.done $0x0  }
0x9b: {  	[sflag:s23] =	ssyncadd.s32 $0xFFFFFC18  }
0x9c: {  	_ =	swait.ge [sflag:s23], $0x3E8  }
0x9d: {  	[sflag:s23] =	ssyncset.done $0x0  }
0x9e: {  	[sflag:s23] =	ssyncadd.s32 $0xFFFFFC18  }
0x9f: {  	[tilespmem:s24], [sflag:$0x2] =	stream.indirect.gather [hbm4b:s4+s17], $0x8, s3, s17, $0xb8;
	[tilespmem:$0x16760] =	vst v63  }
0xa0: {  	_ = 	snop  }
0xa1: {  	[tilespmem:s25], [sflag:$0x2] =	stream.indirect.gather [hbm4b:s4+s17], $0x8, s17, s17, $0xb8;
	[tilespmem:$0x16760] =	vst v63  }
0xa2: {  	_ = 	snop  }
0xa3: {  	[tilespmem:s26], [sflag:$0x2] =	stream.indirect.gather [hbm4b:s4+s17], $0x8, s19, s17, $0xb8;
	[tilespmem:$0x16760] =	vst v63  }
0xa4: {  	_ = 	snop  }
0xa5: {  	[tilespmem:s28], [sflag:$0x2] =	stream.indirect.gather [hbm4b:s4+s17], $0x8, s21, s17, $0xb8;
	[tilespmem:$0x16760] =	vst v63  }
0xa6: {  	_ =	swait.ge [sflag:s29], $0x1F40  }
0xa7: {  	[sflag:s29] =	ssyncset.done $0x0  }
0xa8: {  	[sflag:s29] =	ssyncadd.s32 $0xFFFFE0C0  }
0xa9: {  	[spmem:s1] =	stream.indirect.scatter.add.f32 [tilespmem:s24], [sflag:$0x3], $0x8, s16, s17, $0xb8;
	[tilespmem:$0x16760] =	vst v63  }
0xaa: {  	_ =	swait.ge [sflag:s29], $0x1F40  }
0xab: {  	[sflag:s29] =	ssyncset.done $0x0  }
0xac: {  	s0 =	sadd.s32 $0x1F4, s0;
	[sflag:s29] =	ssyncadd.s32 $0xFFFFE0C0  }
0xad: {  	[spmem:s1] =	stream.indirect.scatter.add.f32 [tilespmem:s25], [sflag:$0x3], $0x8, s18, s17, $0xb8;
	[tilespmem:$0x16760] =	vst v63  }
0xae: {  	p0 =	sne.s32 s0, $0x61A8;
	_ =	swait.ge [sflag:s29], $0x1F40  }
.Ltmp0:
0xaf: {  	[sflag:s29] =	ssyncset.done $0x0;
	(pc) =	sbr.rel @p0 .LBB2_2-.Ltmp0, $4  }
0xb0: {  	[sflag:s29] =	ssyncadd.s32 $0xFFFFE0C0  }
0xb1: {  	[spmem:s1] =	stream.indirect.scatter.add.f32 [tilespmem:s26], [sflag:$0x3], $0x8, s20, s17, $0xb8;
	[tilespmem:$0x16760] =	vst v63  }
0xb2: {  	_ =	swait.ge [sflag:s29], $0x1F40  }
0xb3: {  	[sflag:s29] =	ssyncset.done $0x0  }
0xb4: {  	[sflag:s29] =	ssyncadd.s32 $0xFFFFE0C0  }
0xb5: {  	[spmem:s1] =	stream.indirect.scatter.add.f32 [tilespmem:s28], [sflag:$0x3], $0x8, s22, s17, $0xb8;
	[tilespmem:$0x16760] =	vst v63  }
0xb6: {  	_ =	swait.ge [sflag:s30], $0x1F40  }
0xb7: {  	[sflag:s30] =	ssyncset.done $0x0  }
0xb8: {  	[sflag:s30] =	ssyncadd.s32 $0xFFFFE0C0  }
0xb9: {  	_ =	swait.ge [sflag:s30], $0x1F40  }
0xba: {  	[sflag:s30] =	ssyncset.done $0x0  }
0xbb: {  	[sflag:s30] =	ssyncadd.s32 $0xFFFFE0C0  }
0xbc: {  	_ =	swait.ge [sflag:s30], $0x1F40  }
0xbd: {  	[sflag:s30] =	ssyncset.done $0x0  }
0xbe: {  	[sflag:s30] =	ssyncadd.s32 $0xFFFFE0C0  }
0xbf: {  	_ =	swait.ge [sflag:s30], $0x1F40  }
0xc0: {  	[sflag:s30] =	ssyncset.done $0x0  }
0xc1: {  	s31 =	sadd.s32 $0x1, s31;
	[sflag:s30] =	ssyncadd.s32 $0xFFFFE0C0  }
0xc2: {  	p0 =	sne.s32 s31, s8;
	[bflag:$0x0] =	sbarrier.arrive $0xFFFF  }
.Ltmp1:
0xc3: {  	s0 =	rddreg [dreg:$0x7];
	(pc) =	sbr.rel @p0 .LBB2_1-.Ltmp1, $4  }
0xc4: {  	[hbm:s0], [sflag:s6] =	dma.local [spmem:s14], $0x1964  }
0xc5: {  	_ =	swait.ge [sflag:s15], $0x1964  }
0xc6: {  	[sflag:s15] =	ssyncset.done $0x0  }
0xc7: {  	[sflag:s15] =	ssyncadd.s32 $0xFFFFE69C  }
0xc8: {  	_ =	sfence.sel $0x180000  }
0xc9: {  	[bflag:$0x0] =	sbarrier.arrive $0xFFFF  }
0xca: {  	_ =	strace $0x9000004A  }
0xcb: {  	s0 =	stileid.u32;
	[bflag:$0x2] =	sbarrier.arrive $0xFFFF  }
0xcc: {  	p0 =	sne.s32 s0, $0x0;
	s0 =	rddreg [dreg:$0x2]  }
0xcd: {  	s0 =	sadd.s32 @!p0 $0x100000, s0  }
0xce: {  	[sflag:s0] =	ssyncadd.tile.s32 @!p0 $0x1;
	_ =	shalt  }
.Lfunc_end2:
_tile_overlayer_lowered:
.L_overlay_start_2:
0xcf: {  	(tag) =	ssettag $0x2  }
0xd0: {  	s0 =	rddreg [dreg:$0x0];
	s2 =	stileid.u32  }
0xd1: {  	s1 =	rddreg [dreg:$0x1];
	p0 =	sne.s32 s2, $0x0  }
0xd2: {  	s3 =	rddreg [dreg:$0x2];
	[bflag:$0x3] =	sbarrier.arrive $0xFFFF;
	s2 =	simm.s32 @!p0 $0x1C04  }
0xd3: {  	[timem:s3], [sflag:s2] =	dma.local @!p0 [hbm:s0], s1  }
0xd4: {  	s0 =	simm.s32 @!p0 $0x4  }
0xd5: {  	_ =	swait.ge @!p0 [sflag:s0], s1  }
0xd6: {  	s1 =	ssub.s32 @!p0 $0x0, s1;
	[sflag:s0] =	ssyncset.done @!p0 $0x0  }
0xd7: {  	[sflag:s0] =	ssyncadd.s32 @!p0 s1  }
0xd8: {  	[bflag:$0x3] =	sbarrier.arrive $0xFFFF  }
0xd9: {  	_ =	shalt  }

// kernel: sparse-core-data-format-call.cloned.1.call-start
scs
called_computation_lowered:
.L_overlay_start_0:
0x0: {  	s2 =	sld [smem:$0x3FD9]  }
0x1: {  	s3 =	sld [smem:$0x3FFE];
	_ =	sdelay $0x1  }
0x2: {  	s1 =	srdreg.scid  }
0x3: {  	s0 =	sand.u32 $0x1, s1  }
0x4: {  	s18 =	sshll.u32 s0, $0xA;
	s2 =	sadd.s32 s3, s2  }
0x5: {  	s2 =	sadd.s32 s2, s18  }
0x6: {  	[smem:$0x3FBA] =	sst s2  }
0x7: {  	_ = 	snop  }
0x8: {  	s2 =	sld [smem:$0x3FBD];
	(tm) =	ssettm $0x1  }
0x9: {  	s19 =	sld [smem:$0x3FFB];
	_ =	sdelay $0x3  }
0xa: {  	_ =	strace s19  }
0xb: {  	s3 =	sld [smem:$0x3FFC];
	_ =	sdelay $0x3  }
0xc: {  	_ =	strace s3  }
0xd: {  	s3 =	sld [smem:$0x3FFD];
	_ =	sdelay $0x3  }
0xe: {  	_ =	strace s3  }
0xf: {  	_ =	strace $0x8FFFFFFF  }
0x10: {  	s20 =	sld [smem:$0x3FDB];
	_ =	sdelay $0x1  }
0x11: {  	s4 =	simm.s32 $_scs_section_size  }
0x12: {  	s5 =	simm.s32 $_size__tile_overlayer_lowered;
	s6 =	simm.s32 $_tile_overlayer_lowered  }
0x13: {  	s23 =	simm.s32 $0x1BFF;
	s22 =	sshll.u32 s6, $0x1;
	s3 =	sadd.s32 s4, s20  }
0x14: {  	s7 =	simm.s32 $0x0;
	s21 =	sshll.u32 s5, $0x1;
	s5 =	sadd.s32 s22, s3  }
0x15: {  	[timem:s7], [sflag:s23] =	dma.local [hbm:s5], s21  }
0x16: {  	_ =	swait.ge [sflag:s23], s21  }
0x17: {  	s4 =	ssub.s32 $0x0, s21;
	[sflag:s23] =	ssyncset.done $0x0  }
0x18: {  	[sflag:s23] =	ssyncadd.s32 s4;
	_ =	sdelay $0x1  }
0x19: {  	s24 =	simm.s32 $0x1B8B  }
0x1a: {  	_ =	swait.ge [sflag:s24], $0x1  }
0x1b: {  	[sflag:s24] =	ssyncset.done $0x0  }
0x1c: {  	s26 =	simm.s32 $0x1B8E;
	s25 =	sld [smem:$0x3FFE];
	[sflag:s24] =	ssyncadd.s32 $0xFFFFFFFF  }
0x1d: {  	s27 =	simm.s32 $execute0_lowered;
	[smem:$0x3FD2] =	sst s26  }
0x1e: {  	s5 =	sshll.u32 s27, $0x1;
	_ =	strace $0x80000046;
	[dreg:$0x1] =	wrdreg $0xFFFFFFFF  }
0x1f: {  	s28 =	simm.s32 $_size_execute0_lowered;
	s3 =	sadd.s32 s3, s5;
	[dreg:$0x0] =	wrdreg $0x0  }
0x20: {  	s5 =	sshll.u32 s28, $0x1;
	[dreg:$0x2] =	wrdreg s3  }
0x21: {  	[dreg:$0x3] =	wrdreg s5  }
0x22: {  	[dreg:$0x4] =	wrdreg $0xC0  }
0x23: {  	_ =	task [dreg:s7], $0x5FFFF  }
0x24: {  	[dreg:$0x1] =	wrdreg $0xFFFFFFFF  }
0x25: {  	[dreg:$0x0] =	wrdreg $0x60  }
0x26: {  	[dreg:$0x2] =	wrdreg s2  }
0x27: {  	[dreg:$0x3] =	wrdreg s25  }
0x28: {  	[dreg:$0x4] =	wrdreg $0x9  }
0x29: {  	_ =	task.clear_ibuf [dreg:s7], $0x5FFFF;
	_ =	strace $0x90000046  }
0x2a: {  	s29 =	simm.s32 $0x9;
	_ =	strace $0x80000048  }
0x2b: {  	_ =	swait.ge [sflag:s29], $0x1  }
0x2c: {  	[sflag:s29] =	ssyncadd.s32 $0xFFFFFFFF  }
0x2d: {  	_ =	strace $0x90000048  }
0x2e: {  	_ =	sfence  }
0x2f: {  	s30 =	sld [smem:$0x0];
	_ =	sdelay $0x2  }
0x30: {  	s31 =	sshll.u32 s1, $0xD;
	s1 =	sshrl.u32 s1, $0x2  }
0x31: {  	s3 =	sand.u32 $0x4000, s31;
	s1 =	sadd.s32 s1, s30  }
0x32: {  	s0 =	sor.u32 s3, s0;
	s1 =	sshll.u32 s1, $0x11  }
0x33: {  	s0 =	sor.u32 s1, s0  }
0x34: {  	s0 =	sadd.s32 $0x8F2B, s0  }
0x35: {  	[sflag:s0] =	ssyncadd.remote.s32 $0x1  }
0x36: {  	_ =	sfence.sel $0xFFFF  }
0x37: {  	[dreg:$0x0] =	wrdreg $0xFFFFFFFF;
	(pc) =	sbr.abs _section_cstart, $3  }
0x38: {  	[dreg:$0x1] =	wrdreg $0xFFFFFFFF  }
0x39: {  	_ =	task.clear_ibuf [dreg:s7], $0x2FFFF;
	_ =	strace $0x9FFFFFFF  }
0x3a: {  	(tm) =	ssettm $0x7FFFFFFF  }
0x3b: {  	_ =	shalt  }
tec
execute0_lowered:
.L_overlay_start_1:
0x0: {  	(tag) =	ssettag $0x1  }
0x1: {  	s0 =	stileid.u32;
	s7 =	rddreg [dreg:$0x0]  }
0x2: {  	s1 =	srdreg.scid;
	s4 =	rddreg [dreg:$0x1]  }
0x3: {  	s30 =	simm.s32 $0x2;
	s10 =	simm.s32 $0x0;
	s14 =	simm.s32 $0x0  }
0x4: {  	s15 =	simm.s32 $0x0;
	s11 =	simm.s32 $0x0;
	s13 =	simm.s32 $0x0  }
0x5: {  	s2 =	sand.u32 $0x1, s1;
	s3 =	sshll.u32 s0, $0x7;
	s1 =	rddreg [dreg:$0x2]  }
0x6: {  	_ =	strace $0x80000047;
	s5 =	ssub.s32 $0xC300, s3;
	s6 =	ssub.s32 $0x2, s2  }
.Ltmp0:
0x7: {  	s5 =	sshrl.u32 s5, $0xB;
	s8 =	sshrl.u32 s6, $0x1;
	(pc) =	sbr.rel .LBB1_1-.Ltmp0, $4  }
0x8: {  	s4 =	sadd.s32 $0x2200, s4;
	s9 =	sadd.s32 $0x1, s5;
	s6 =	ssub.s32 s6, s8  }
0x9: {  	s31 =	sshll.u32 s2, $0x4;
	s5 =	simm.s32 $0x1;
	s6 =	smul.u32 s9, s6  }
0xa: {  	s12 =	smov.u32 s3;
	s7 =	sadd.s32 s7, s31;
	[sflag:s5] =	ssyncpa.u1 $0x0  }
0xb: {  	s9 =	simm.s32 $0x0;
	[sflag:s30] =	ssyncpa.u1 $0x0;
	s8 =	sadd.s32 $0x1, s6  }
.LBB1_4:
0xc: {  	s21 =	simm.s32 $0x0  }
.LBB1_8:
0xd: {  	_ =	sdelay $0x3  }
0xe: {  	v6 =	vld [tilespmem:s18+$0xFFFFFFC0];
	[tilespmem:v0+s20+$0x30 ss:$0x1] =	vst.idx.msk @p0 $0xffff, v2  }
0xf: {  	v58 =	vld [tilespmem:s18+$0xFFFFFFD0];
	[tilespmem:v0+s20+$0x40 ss:$0x1] =	vst.idx.msk @p0 $0xffff, v3;
	s21 =	sadd.s32 @p0 $0x80, s21  }
0x10: {  	v59 =	vld [tilespmem:s18+$0xFFFFFFE0];
	[tilespmem:v0+s20+$0x50 ss:$0x1] =	vst.idx.msk @p0 $0xffff, v5;
	s19 =	smov.u32 @p0 s21  }
0x11: {  	v60 =	vld [tilespmem:s18+$0xFFFFFFF0];
	[tilespmem:v0+s20+$0x60 ss:$0x1] =	vst.idx.msk @p0 $0xffff, v4;
	s19 =	sand.u32 $0x3F80, s19  }
0x12: {  	v61 =	vld [tilespmem:s18+$0x0];
	[tilespmem:v0+s19+$0x70 ss:$0x1] =	vst.idx.msk $0xffff, v1  }
0x13: {  	v62 =	vld [tilespmem:s18+$0x10];
	[tilespmem:v0+s19+$0x0 ss:$0x1] =	vst.idx.msk $0xffff, v6  }
0x14: {  	v63 =	vld [tilespmem:s18+$0x20];
	[tilespmem:v0+s19+$0x10 ss:$0x1] =	vst.idx.msk $0xffff, v58  }
0x15: {  	[tilespmem:v0+s19+$0x20 ss:$0x1] =	vst.idx.msk $0xffff, v59  }
0x16: {  	[tilespmem:v0+s19+$0x30 ss:$0x1] =	vst.idx.msk $0xffff, v60  }
0x17: {  	[tilespmem:v0+s19+$0x40 ss:$0x1] =	vst.idx.msk $0xffff, v61  }
0x18: {  	[tilespmem:v0+s19+$0x50 ss:$0x1] =	vst.idx.msk $0xffff, v62  }
0x19: {  	[tilespmem:v0+s19+$0x60 ss:$0x1] =	vst.idx.msk $0xffff, v63  }
.LBB1_9:
0x1a: {  	s18 =	sand.u32 $0x1FFFFFF, s11  }
0x1b: {  	s19 =	smulhi.u32 $0x14F8B59, s18;
	_ =	sdelay $0x1  }
0x1c: {  	s19 =	sshrl.u32 s19, $0x8  }
0x1d: {  	s19 =	smul.u32 $0xC350, s19  }
0x1e: {  	s15 =	smul.u32 $0xC3500, s15  }
0x1f: {  	s18 =	ssub.s32 s18, s19  }
0x20: {  	s15 =	sadd.s32 s4, s15;
	s18 =	sshll.u32 s18, $0x4  }
0x21: {  	s15 =	sadd.s32 s18, s15  }
0x22: {  	[hbm4b:s15+s9] =	stream.linear.scatter [tilespmem:s17], [sflag:$0x2], s16, $0x38;
	[tilespmem:$0x10000] =	vst v63  }
.LBB1_10:
0x23: {  	p0 =	slt.u32 s13, $0x2  }
0x24: {  	p1 =	sgt.s32 @!p0 s14, $0xC2D0  }
0x25: {  	s15 =	smov.u32 s14;
	s16 =	sshra.s32 @!p0 s14, $0x1F;
	p1 =	por !p1, p0  }
0x26: {  	s14 =	sand.u32 @!p0 s16, s14;
	s15 =	simm.s32 @p1 $0xC2D0  }
0x27: {  	s14 =	ssub.s32 @!p0 s15, s14  }
0x28: {  	s14 =	sadd.s32 @!p0 $0xFFFF3D30, s14  }
0x29: {  	s15 =	sshll.u32 @!p0 s14, $0x7  }
0x2a: {  	p1 =	sgt.s32 @!p0 s14, $0x7F;
	s14 =	ssub.s32 @!p0 $0x4000, s15  }
0x2b: {  	s16 =	sadd.s32 $0x800, s12;
	p1 =	por !p1, p0;
	s14 =	sand.u32 @!p0 $0x3FFFFF80, s14  }
0x2c: {  	s14 =	simm.s32 @!p1 $0x0;
	p1 =	sgt.s32 s16, $0xC34F  }
0x2d: {  	s16 =	smov.u32 @p1 s3;
	p1 =	sne.s32 s13, s8  }
.Ltmp1:
0x2e: {  	_ = 	snop;
	(pc) =	sbr.rel @!p1 .LBB1_11-.Ltmp1, $4  }
0x2f: {  	s10 =	sadd.s32 $0x4000, s10;
	s15 =	simm.s32 @!p0 $0x2  }
0x30: {  	_ =	swait.ge @!p0 [sflag:s15], s14;
	s17 =	ssub.s32 @!p0 $0x0, s14;
	s14 =	smov.u32 s11  }
0x31: {  	s13 =	sadd.s32 $0x1, s13;
	s11 =	smov.u32 s12;
	[sflag:s15] =	ssyncset.done @!p0 $0x0  }
0x32: {  	s12 =	smov.u32 s16;
	[sflag:s15] =	ssyncadd.s32 @!p0 s17;
	s15 =	smov.u32 s2  }
.LBB1_1:
0x33: {  	p0 =	sge.u32 s13, s6  }
0x34: {  	p1 =	sgt.s32 @!p0 s12, $0xC2D0  }
0x35: {  	s16 =	smov.u32 s12;
	s17 =	sshra.s32 @!p0 s12, $0x1F;
	p1 =	por !p1, p0  }
0x36: {  	s17 =	sand.u32 @!p0 s17, s12;
	s16 =	simm.s32 @p1 $0xC2D0  }
0x37: {  	s16 =	ssub.s32 @!p0 s16, s17  }
0x38: {  	s31 =	sadd.s32 $0xFFFFFFFF, s13;
	s18 =	sxor.u32 @!p0 $0xFFFFFFFF, s13;
	s16 =	sadd.s32 @!p0 $0xFFFF3D30, s16  }
0x39: {  	s19 =	simm.s32 @!p0 $0x80;
	s20 =	simm.s32 @!p0 $0x100;
	s17 =	sshll.u32 @!p0 s16, $0x7  }
0x3a: {  	p1 =	sgt.s32 @!p0 s16, $0x7F;
	s16 =	ssub.s32 @!p0 $0x4000, s17;
	s17 =	sshll.u32 @!p0 s18, $0xE  }
0x3b: {  	p1 =	por !p1, p0;
	s18 =	sshll.u32 @!p0 s12, $0x5;
	s16 =	sand.u32 @!p0 $0x3FFFFF80, s16  }
0x3c: {  	s17 =	sand.u32 @!p0 $0x4000, s17;
	s18 =	sadd.s32 @!p0 s18, s7;
	s16 =	simm.s32 @!p1 $0x0  }
0x3d: {  	[tilespmem:s17], [sflag:$0x1] =	stream.strided.gather @!p0 [hbm4b:s18+s19], s16, s20, s19, $0x38;
	[tilespmem:$0x10000] =	vst v63  }
0x3e: {  	p0 =	sge.u32 s31, s6  }
.Ltmp2:
0x3f: {  	_ = 	snop;
	(pc) =	sbr.rel @p0 .LBB1_10-.Ltmp2, $1  }
0x40: {  	_ =	sdelay $0x3  }
0x41: {  	p0 =	sgt.s32 s11, $0xC2D0;
	s16 =	smov.u32 s11;
	s17 =	sshra.s32 s11, $0x1F  }
0x42: {  	s16 =	simm.s32 @!p0 $0xC2D0;
	s17 =	sand.u32 s17, s11  }
0x43: {  	s16 =	ssub.s32 s16, s17  }
0x44: {  	s16 =	sadd.s32 $0xFFFF3D30, s16  }
0x45: {  	s30 =	sshll.u32 s16, $0x7  }
0x46: {  	s17 =	ssub.s32 $0x4000, s30  }
0x47: {  	p0 =	sgt.s32 s16, $0x7F;
	s16 =	sand.u32 $0x3FFFFF80, s17;
	s17 =	sadd.s32 $0x80, s11  }
0x48: {  	s16 =	simm.s32 @p0 $0x0;
	p0 =	slt.s32 s17, $0xC350  }
0x49: {  	s17 =	simm.s32 @!p0 $0xC350  }
0x4a: {  	s20 =	ssub.s32 s17, s11  }
0x4b: {  	p0 =	slt.s32 s20, $0x1  }
.Ltmp3:
0x4c: {  	_ = 	snop;
	(pc) =	sbr.rel @p0 .LBB1_9-.Ltmp3, $4  }
0x4d: {  	_ = 	snop  }
0x4e: {  	s19 =	sshll.u32 s13, $0xE;
	_ =	swait.ge [sflag:s5], s16  }
0x4f: {  	s31 =	sand.u32 $0x4000, s19;
	s18 =	ssub.s32 $0x0, s16;
	[sflag:s5] =	ssyncset.done $0x0  }
0x50: {  	s17 =	sor.u32 $0x8000, s31;
	[sflag:s5] =	ssyncadd.s32 s18  }
0x51: {  	p1 =	sne.s32 s20, $0x1  }
.Ltmp4:
0x52: {  	v0 =	vmov s17;
	(pc) =	sbr.rel @!p1 .LBB1_4-.Ltmp4, $4  }
0x53: {  	_ = 	snop  }
0x54: {  	s18 =	sand.u32 $0x4000, s10  }
0x55: {  	s18 =	sor.u32 $0x40, s18  }
0x56: {  	s19 =	simm.s32 $0x0;
	s21 =	sadd.s32 $0xFFFFFFFF, s20;
	p0 =	por $0x0, $0x0;
	v1 =	vld [tilespmem:s18+$0x30]  }
0x57: {  	v4 =	vld [tilespmem:s18+$0xFFFFFFC0]  }
0x58: {  	v6 =	vld [tilespmem:s18+$0xFFFFFFD0]  }
0x59: {  	v7 =	vld [tilespmem:s18+$0xFFFFFFE0];
	p1 =	sne.s32 s21, $0x1  }
.Ltmp5:
0x5a: {  	v2 =	vld [tilespmem:s18+$0xFFFFFFF0];
	s20 =	sand.u32 $0x3F80, s19;
	(pc) =	sbr.rel @!p1 .LBB1_6-.Ltmp5, $4  }
0x5b: {  	v3 =	vld [tilespmem:s18+$0x0];
	[tilespmem:v0+s20+$0x70 ss:$0x1] =	vst.idx.msk $0xffff, v1  }
0x5c: {  	v5 =	vld [tilespmem:s18+$0x10];
	[tilespmem:v0+s20+$0x0 ss:$0x1] =	vst.idx.msk $0xffff, v4  }
0x5d: {  	v4 =	vld [tilespmem:s18+$0x20];
	[tilespmem:v0+s20+$0x10 ss:$0x1] =	vst.idx.msk $0xffff, v6;
	s18 =	sadd.s32 $0x80, s18  }
0x5e: {  	s22 =	sadd.s32 $0xFFFFFFFF, s21;
	p0 =	por $0x1, $0x1;
	s21 =	simm.s32 $0x0;
	[tilespmem:v0+s20+$0x20 ss:$0x1] =	vst.idx.msk $0xffff, v7;
	v1 =	vld [tilespmem:s18+$0x30]  }
.LBB1_7:
0x5f: {  	p1 =	sne.s32 s22, $0x1;
	v6 =	vld [tilespmem:s18+$0xFFFFFFC0];
	[tilespmem:v0+s20+$0x30 ss:$0x1] =	vst.idx.msk $0xffff, v2  }
0x60: {  	v7 =	vld [tilespmem:s18+$0xFFFFFFD0];
	[tilespmem:v0+s20+$0x40 ss:$0x1] =	vst.idx.msk $0xffff, v3  }
0x61: {  	s21 =	sadd.s32 $0x80, s21;
	v8 =	vld [tilespmem:s18+$0xFFFFFFE0];
	[tilespmem:v0+s20+$0x50 ss:$0x1] =	vst.idx.msk $0xffff, v5  }
.Ltmp6:
0x62: {  	v2 =	vld [tilespmem:s18+$0xFFFFFFF0];
	[tilespmem:v0+s20+$0x60 ss:$0x1] =	vst.idx.msk $0xffff, v4;
	s20 =	sand.u32 $0x3F80, s21;
	(pc) =	sbr.rel @p1 .LBB1_7-.Ltmp6, $4  }
0x63: {  	v3 =	vld [tilespmem:s18+$0x0];
	[tilespmem:v0+s20+$0x70 ss:$0x1] =	vst.idx.msk $0xffff, v1  }
0x64: {  	[tilespmem:v0+s20+$0x0 ss:$0x1] =	vst.idx.msk $0xffff, v6;
	v5 =	vld [tilespmem:s18+$0x10]  }
0x65: {  	[tilespmem:v0+s20+$0x10 ss:$0x1] =	vst.idx.msk $0xffff, v7;
	v4 =	vld [tilespmem:s18+$0x20];
	s18 =	sadd.s32 $0x80, s18  }
0x66: {  	s22 =	sadd.s32 $0xFFFFFFFF, s22;
	v1 =	vld [tilespmem:s18+$0x30];
	[tilespmem:v0+s20+$0x20 ss:$0x1] =	vst.idx.msk $0xffff, v8  }
.Ltmp7:
0x67: {  	_ = 	snop;
	(pc) =	sbr.rel .LBB1_8-.Ltmp7, $1  }
0x68: {  	_ =	sdelay $0x3  }
.LBB1_6:
.Ltmp8:
0x69: {  	(pc) =	sbr.rel .LBB1_8-.Ltmp8, $2  }
0x6a: {  	_ =	sdelay $0x2  }
0x6b: {  	s21 =	simm.s32 $0x0  }
.LBB1_11:
0x6c: {  	_ =	sfence.sel $0x180000  }
0x6d: {  	s2 =	simm.s32 $0x1;
	[bflag:$0x0] =	sbarrier.arrive $0xFFFF  }
0x6e: {  	s31 =	simm.s32 $0x2;
	[sflag:s2] =	ssyncpa.u1 $0x1  }
0x6f: {  	[sflag:s31] =	ssyncpa.u1 $0x1  }
0x70: {  	p0 =	sne.s32 s0, $0x0;
	_ =	strace $0x90000047  }
0x71: {  	s0 =	sadd.s32 @!p0 $0x100000, s1;
	[bflag:$0x2] =	sbarrier.arrive $0xFFFF  }
0x72: {  	[sflag:s0] =	ssyncadd.tile.s32 @!p0 $0x1;
	_ =	shalt  }
.Lfunc_end1:
_tile_overlayer_lowered:
.L_overlay_start_2:
0x73: {  	(tag) =	ssettag $0x2  }
0x74: {  	s0 =	rddreg [dreg:$0x0];
	s2 =	stileid.u32  }
0x75: {  	s1 =	rddreg [dreg:$0x1];
	p0 =	sne.s32 s2, $0x0  }
0x76: {  	s3 =	rddreg [dreg:$0x2];
	[bflag:$0x3] =	sbarrier.arrive $0xFFFF;
	s2 =	simm.s32 @!p0 $0x1C01  }
0x77: {  	[timem:s3], [sflag:s2] =	dma.local @!p0 [hbm:s0], s1  }
0x78: {  	s0 =	simm.s32 @!p0 $0x1  }
0x79: {  	_ =	swait.ge @!p0 [sflag:s0], s1  }
0x7a: {  	s1 =	ssub.s32 @!p0 $0x0, s1;
	[sflag:s0] =	ssyncset.done @!p0 $0x0  }
0x7b: {  	[sflag:s0] =	ssyncadd.s32 @!p0 s1  }
0x7c: {  	[bflag:$0x3] =	sbarrier.arrive $0xFFFF  }
0x7d: {  	_ =	shalt  }

</sc_bundles>
